<compile_context>
chip_gen: v7x
topology: tpu7x:2x2x1
jax: 0.10.2.dev20260603
libtpu: 0.0.44.dev20260713+nightly
codegen_flags: <defaults>
</compile_context>

<pallas_src>
import functools

import jax
import jax.numpy as jnp
from jax import lax
from jax.experimental import pallas as pl
from jax.experimental.pallas import tpu as pltpu
from jax.experimental.pallas import tpu_sc as plsc

N_NODES = 10000
E_EDGES = 320000
D_IN = 128
H_MID = 64
D_OUT = 128

NC = 2
NS = 16
NW = NC * NS
CH = 256
NBUF = 2
LEAD = 1
K_CHUNKS = 40
E_PAD = NW * CH * K_CHUNKS
R_PAD = 10112
ZR = R_PAD // NS

@functools.cache
def _make_sc_agg():
    mesh = plsc.VectorSubcoreMesh(core_axis_name="c", subcore_axis_name="s",
                                  num_cores=NC)

    @functools.partial(
        pl.kernel,
        out_type=jax.ShapeDtypeStruct((NC, R_PAD, H_MID), jnp.float32),
        mesh=mesh,
        compiler_params=pltpu.CompilerParams(use_tc_tiling_on_sc=False),
        scratch_types=[
            pltpu.VMEM((K_CHUNKS, CH), jnp.int32),
            pltpu.VMEM((K_CHUNKS, CH), jnp.int32),
            pltpu.VMEM((NBUF, CH, H_MID), jnp.float32),
            pltpu.VMEM_SHARED((R_PAD, H_MID), jnp.float32),
            pltpu.SemaphoreType.DMA((NBUF,)),
            pltpu.SemaphoreType.DMA((NBUF,)),
        ],
    )
    def _sc_agg(y_hbm, src_hbm, dst_hbm, zero_hbm, out_hbm,
                src_v, dst_v, rows_v, acc_sh, gsem, ssem):
        cid = lax.axis_index("c")
        sid = lax.axis_index("s")
        wid = cid * NS + sid

        with jax.named_scope("sc_prologue"):
            pltpu.sync_copy(zero_hbm.at[pl.ds(sid * ZR, ZR)],
                            acc_sh.at[pl.ds(sid * ZR, ZR)])
            pltpu.sync_copy(src_hbm.at[wid], src_v)
            pltpu.sync_copy(dst_hbm.at[wid], dst_v)
            plsc.subcore_barrier()

        with jax.named_scope("sc_edge_loop"):
            for b in range(LEAD):
                pltpu.async_copy(y_hbm.at[src_v.at[b]], rows_v.at[b],
                                 gsem.at[b])

            @pl.loop(0, K_CHUNKS, step=NBUF)
            def _(j0):
                for b in range(NBUF):
                    j = j0 + b
                    bg = (b + LEAD) % NBUF

                    @pl.when(j + LEAD < K_CHUNKS)
                    def _():
                        @pl.when(j + LEAD >= NBUF)
                        def _():
                            pltpu.make_async_copy(
                                rows_v.at[bg], acc_sh.at[pl.ds(0, CH)],
                                ssem.at[bg]).wait()
                        pltpu.async_copy(
                            y_hbm.at[src_v.at[j + LEAD]], rows_v.at[bg],
                            gsem.at[bg])

                    pltpu.make_async_copy(
                        y_hbm.at[pl.ds(0, CH)], rows_v.at[b],
                        gsem.at[b]).wait()
                    pltpu.async_copy(
                        rows_v.at[b], acc_sh.at[dst_v.at[j]], ssem.at[b],
                        add=True)

            for b in range(NBUF):
                pltpu.make_async_copy(
                    rows_v.at[b], acc_sh.at[pl.ds(0, CH)], ssem.at[b]).wait()

        with jax.named_scope("sc_epilogue"):
            plsc.subcore_barrier()
            pltpu.sync_copy(acc_sh.at[pl.ds(sid * ZR, ZR)],
                            out_hbm.at[cid, pl.ds(sid * ZR, ZR)])

    return _sc_agg


def _mm_body(x_ref, w_ref, o_ref):
    o_ref[...] = jnp.dot(x_ref[...], w_ref[...],
                         preferred_element_type=jnp.float32)


def _mid_body(y_ref, p_ref, b1_ref, g1_ref, bt1_ref, w2_ref, b2_ref, w3_ref,
              o_ref):
    h = y_ref[...] + b1_ref[...]
    for c in range(NC):
        h = h + p_ref[c, :N_NODES, :]
    m = jnp.mean(h, axis=0, keepdims=True)
    c = h - m
    v = jnp.mean(c * c, axis=0, keepdims=True)
    hn = g1_ref[...] * c / jnp.sqrt(v + 1e-5) + bt1_ref[...]
    a = jnp.maximum(hn, 0.0)
    a = jnp.maximum(
        jnp.dot(a, w2_ref[...], preferred_element_type=jnp.float32)
        + b2_ref[...], 0.0)
    o_ref[...] = jnp.dot(a, w3_ref[...], preferred_element_type=jnp.float32)


def _fin_body(y_ref, p_ref, b3_ref, g3_ref, bt3_ref, w4_ref, b4_ref, o_ref):
    h = y_ref[...] + b3_ref[...]
    for c in range(NC):
        h = h + p_ref[c, :N_NODES, :]
    m = jnp.mean(h, axis=0, keepdims=True)
    c = h - m
    v = jnp.mean(c * c, axis=0, keepdims=True)
    hn = g3_ref[...] * c / jnp.sqrt(v + 1e-5) + bt3_ref[...]
    a = jnp.maximum(hn, 0.0)
    z = (jnp.dot(a, w4_ref[...], preferred_element_type=jnp.float32)
         + b4_ref[...])
    zm = jnp.max(z, axis=1, keepdims=True)
    zs = z - zm
    o_ref[...] = zs - jnp.log(jnp.sum(jnp.exp(zs), axis=1, keepdims=True))


def kernel(x, edge_index, W1, b1, g1, bt1, W2, b2, W3, b3, g3, bt3, W4, b4):
    pad = E_PAD - E_EDGES
    src_p = jnp.concatenate(
        [edge_index[0], jnp.zeros((pad,), jnp.int32)]).reshape(NW, K_CHUNKS, CH)
    dst_p = jnp.concatenate(
        [edge_index[1], jnp.full((pad,), N_NODES, jnp.int32)]
    ).reshape(NW, K_CHUNKS, CH)
    zero_init = jnp.zeros((R_PAD, H_MID), jnp.float32)

    y1 = pl.pallas_call(
        _mm_body,
        out_shape=jax.ShapeDtypeStruct((N_NODES, H_MID), jnp.float32),
    )(x, W1)

    sc_agg = _make_sc_agg()
    p1 = sc_agg(y1, src_p, dst_p, zero_init)

    y2 = pl.pallas_call(
        _mid_body,
        out_shape=jax.ShapeDtypeStruct((N_NODES, H_MID), jnp.float32),
    )(y1, p1, b1.reshape(1, H_MID), g1.reshape(1, H_MID),
      bt1.reshape(1, H_MID), W2, b2.reshape(1, H_MID), W3)

    p2 = sc_agg(y2, src_p, dst_p, zero_init)

    out = pl.pallas_call(
        _fin_body,
        out_shape=jax.ShapeDtypeStruct((N_NODES, D_OUT), jnp.float32),
    )(y2, p2, b3.reshape(1, H_MID), g3.reshape(1, H_MID),
      bt3.reshape(1, H_MID), W4, b4.reshape(1, D_OUT))
    return out

# --- scband reference (transcript-rebuilt; emitter-appended) ---
"""Pipeline reference for scband-gin-net-87101936763026 (READ-ONLY COPY).

The authoritative reference and input builder live on the scoring server;
editing this copy changes nothing except your own understanding.
"""

import jax, jax.numpy as jnp
import numpy as np

N = 10000
E = 320000
D = 128
H = 64
OUT = 128


def _bn(x, gamma, beta, eps=1e-5):
    # BatchNorm1d in training mode: use batch statistics
    m = jnp.mean(x, axis=0)
    v = jnp.var(x, axis=0)
    return gamma * (x - m) / jnp.sqrt(v + eps) + beta


def _gin_agg(x, edge_index, gin_eps=0.0):
    # GINConv propagate: sum messages x_j from source -> target, then (1+eps)*x + agg
    src = edge_index[0]
    dst = edge_index[1]
    agg = jnp.zeros_like(x).at[dst].add(x[src])
    return (1.0 + gin_eps) * x + agg


def setup_inputs(seed: int = 0) -> dict:
    key = jax.random.key(seed)
    ks = jax.random.split(key, 16)
    x = jax.random.normal(ks[0], (N, D), dtype=jnp.float32)
    edge_index = jax.random.randint(ks[1], (2, E), 0, N, dtype=jnp.int32)
    # Layer 1 MLP([D, H, H]) with batch_norm
    W1 = jax.random.normal(ks[2], (D, H), dtype=jnp.float32) / np.sqrt(D)
    b1 = jnp.zeros((H,), dtype=jnp.float32)
    g1 = jnp.ones((H,), dtype=jnp.float32)
    bt1 = jnp.zeros((H,), dtype=jnp.float32)
    W2 = jax.random.normal(ks[3], (H, H), dtype=jnp.float32) / np.sqrt(H)
    b2 = jnp.zeros((H,), dtype=jnp.float32)
    # Layer 2 MLP([H, H, OUT]) with batch_norm
    W3 = jax.random.normal(ks[4], (H, H), dtype=jnp.float32) / np.sqrt(H)
    b3 = jnp.zeros((H,), dtype=jnp.float32)
    g3 = jnp.ones((H,), dtype=jnp.float32)
    bt3 = jnp.zeros((H,), dtype=jnp.float32)
    W4 = jax.random.normal(ks[5], (H, OUT), dtype=jnp.float32) / np.sqrt(H)
    b4 = jnp.zeros((OUT,), dtype=jnp.float32)
    return {"x": x, "edge_index": edge_index,
            "W1": W1, "b1": b1, "g1": g1, "bt1": bt1, "W2": W2, "b2": b2,
            "W3": W3, "b3": b3, "g3": g3, "bt3": bt3, "W4": W4, "b4": b4}


def reference(x, edge_index, W1, b1, g1, bt1, W2, b2, W3, b3, g3, bt3, W4, b4):
    # conv1: GINConv(MLP([D, H, H], batch_norm=True))
    h = _gin_agg(x, edge_index)
    h = h @ W1 + b1
    h = _bn(h, g1, bt1)
    h = jax.nn.relu(h)
    h = h @ W2 + b2
    # inter-layer: relu(dropout(x, p=0.0))
    h = jax.nn.relu(h)
    # conv2: GINConv(MLP([H, H, OUT], batch_norm=True))
    h = _gin_agg(h, edge_index)
    h = h @ W3 + b3
    h = _bn(h, g3, bt3)
    h = jax.nn.relu(h)
    h = h @ W4 + b4
    # jk_mode='last' -> identity; then log_softmax over dim=1
    return jax.nn.log_softmax(h, axis=1)

if __name__ == "__main__":
    import jax
    _d = setup_inputs()
    print(jax.jit(kernel)(*tuple(_d.values())))

</pallas_src>

<mosaic_0001>
#map = affine_map<(d0, d1) -> (0, 0)>
#map1 = affine_map<(d0, d1) -> (0, 0, 0)>
module attributes {stable_mosaic.version = 14 : i64} {
  func.func @_sc_agg(%arg0: i32, %arg1: i32, %arg2: memref<10000x64xf32, #tpu.memory_space<hbm>>, %arg3: memref<32x40x256xi32, #tpu.memory_space<hbm>>, %arg4: memref<32x40x256xi32, #tpu.memory_space<hbm>>, %arg5: memref<10112x64xf32, #tpu.memory_space<hbm>>, %arg6: memref<2x10112x64xf32, #tpu.memory_space<hbm>>, %arg7: memref<40x256xi32, #tpu.memory_space<vmem>>, %arg8: memref<40x256xi32, #tpu.memory_space<vmem>>, %arg9: memref<2x256x64xf32, #tpu.memory_space<vmem>>, %arg10: memref<10112x64xf32, #tpu.memory_space<vmem_shared>>, %arg11: memref<2x!tpu.dma_semaphore, #tpu.memory_space<semaphore_mem>>, %arg12: memref<2x!tpu.dma_semaphore, #tpu.memory_space<semaphore_mem>>) attributes {dimension_semantics = [#tpu.dimension_semantics<core_parallel>, #tpu.dimension_semantics<subcore_parallel>], iteration_bounds = array<i64: 2, 16>, scalar_prefetch = 0 : i64, scratch_operands = 6 : i64, tpu.core_type = #tpu.core_type<sc_vector_subcore>, window_params = [{transform_indices = #map}, {transform_indices = #map1}, {transform_indices = #map1}, {transform_indices = #map}, {transform_indices = #map1}]} {
    %mul3A = arith.constant 16 : i32
    %mul3A_0 = arith.muli %arg0, %mul3A : i32
    %add3A = arith.addi %mul3A_0, %arg1 : i32
    "tpu.trace_start"() <{level = 10 : i32, message = "sc_prologue"}> : () -> ()
    %mul3A_1 = arith.constant 632 : i32
    %mul3A_2 = arith.muli %arg1, %mul3A_1 : i32
    %mul3A_3 = arith.constant 632 : i32
    %mul3A_4 = arith.muli %arg1, %mul3A_3 : i32
    "tpu.region"() ({
      %run_scoped3A = tpu.sem_alloc : memref<!tpu.dma_semaphore, #tpu.memory_space<semaphore_mem>>
      %dma_start3A_63 = arith.constant 0 : i32
      %dma_start3A_64 = tpu.memref_slice %arg10[%mul3A_4, %dma_start3A_63] : memref<10112x64xf32, #tpu.memory_space<vmem_shared>> -> memref<632x64xf32, #tpu.memory_space<vmem_shared>>
      %dma_start3A_65 = arith.constant 0 : i32
      %dma_start3A_66 = tpu.memref_slice %arg5[%mul3A_2, %dma_start3A_65] : memref<10112x64xf32, #tpu.memory_space<hbm>> -> memref<632x64xf32, #tpu.memory_space<hbm>>
      tpu.enqueue_dma source(%dma_start3A_66 : memref<632x64xf32, #tpu.memory_space<hbm>>) target(%dma_start3A_64 : memref<632x64xf32, #tpu.memory_space<vmem_shared>>) target_semaphore(%run_scoped3A : memref<!tpu.dma_semaphore, #tpu.memory_space<semaphore_mem>>)
      %dma_wait3A_67 = arith.constant 0 : i32
      %dma_wait3A_68 = tpu.memref_slice %arg10[%mul3A_4, %dma_wait3A_67] : memref<10112x64xf32, #tpu.memory_space<vmem_shared>> -> memref<632x64xf32, #tpu.memory_space<vmem_shared>>
      %dma_wait3A_69 = arith.constant 0 : i32
      %dma_wait3A_70 = tpu.memref_slice %arg5[%mul3A_2, %dma_wait3A_69] : memref<10112x64xf32, #tpu.memory_space<hbm>> -> memref<632x64xf32, #tpu.memory_space<hbm>>
      tpu.wait_dma2 semaphore(%run_scoped3A : memref<!tpu.dma_semaphore, #tpu.memory_space<semaphore_mem>>) src(%dma_wait3A_70 : memref<632x64xf32, #tpu.memory_space<hbm>>) dst(%dma_wait3A_68 : memref<632x64xf32, #tpu.memory_space<vmem_shared>>)
      tpu.yield
    }) : () -> ()
    "tpu.region"() ({
      %run_scoped3A = tpu.sem_alloc : memref<!tpu.dma_semaphore, #tpu.memory_space<semaphore_mem>>
      %dma_start3A_63 = arith.constant 0 : i32
      %dma_start3A_64 = arith.constant 0 : i32
      %dma_start3A_65 = tpu.memref_slice %arg3[%add3A, %dma_start3A_63, %dma_start3A_64] : memref<32x40x256xi32, #tpu.memory_space<hbm>> -> memref<1x40x256xi32, #tpu.memory_space<hbm>>
      %dma_start3A_66 = tpu.memref_squeeze %dma_start3A_65 : memref<1x40x256xi32, #tpu.memory_space<hbm>> -> memref<40x256xi32, #tpu.memory_space<hbm>>
      %dma_start3A_67 = arith.constant 0 : i32
      %dma_start3A_68 = arith.constant 0 : i32
      %dma_start3A_69 = tpu.memref_slice %arg3[%add3A, %dma_start3A_67, %dma_start3A_68] : memref<32x40x256xi32, #tpu.memory_space<hbm>> -> memref<1x40x256xi32, #tpu.memory_space<hbm>>
      %dma_start3A_70 = tpu.memref_squeeze %dma_start3A_69 : memref<1x40x256xi32, #tpu.memory_space<hbm>> -> memref<40x256xi32, #tpu.memory_space<hbm>>
      tpu.enqueue_dma source(%dma_start3A_70 : memref<40x256xi32, #tpu.memory_space<hbm>>) target(%arg7 : memref<40x256xi32, #tpu.memory_space<vmem>>) target_semaphore(%run_scoped3A : memref<!tpu.dma_semaphore, #tpu.memory_space<semaphore_mem>>)
      %dma_wait3A_71 = arith.constant 0 : i32
      %dma_wait3A_72 = arith.constant 0 : i32
      %dma_wait3A_73 = tpu.memref_slice %arg3[%add3A, %dma_wait3A_71, %dma_wait3A_72] : memref<32x40x256xi32, #tpu.memory_space<hbm>> -> memref<1x40x256xi32, #tpu.memory_space<hbm>>
      %dma_wait3A_74 = tpu.memref_squeeze %dma_wait3A_73 : memref<1x40x256xi32, #tpu.memory_space<hbm>> -> memref<40x256xi32, #tpu.memory_space<hbm>>
      %dma_wait3A_75 = arith.constant 0 : i32
      %dma_wait3A_76 = arith.constant 0 : i32
      %dma_wait3A_77 = tpu.memref_slice %arg3[%add3A, %dma_wait3A_75, %dma_wait3A_76] : memref<32x40x256xi32, #tpu.memory_space<hbm>> -> memref<1x40x256xi32, #tpu.memory_space<hbm>>
      %dma_wait3A_78 = tpu.memref_squeeze %dma_wait3A_77 : memref<1x40x256xi32, #tpu.memory_space<hbm>> -> memref<40x256xi32, #tpu.memory_space<hbm>>
      tpu.wait_dma2 semaphore(%run_scoped3A : memref<!tpu.dma_semaphore, #tpu.memory_space<semaphore_mem>>) src(%dma_wait3A_78 : memref<40x256xi32, #tpu.memory_space<hbm>>) dst(%arg7 : memref<40x256xi32, #tpu.memory_space<vmem>>)
      tpu.yield
    }) : () -> ()
    "tpu.region"() ({
      %run_scoped3A = tpu.sem_alloc : memref<!tpu.dma_semaphore, #tpu.memory_space<semaphore_mem>>
      %dma_start3A_63 = arith.constant 0 : i32
      %dma_start3A_64 = arith.constant 0 : i32
      %dma_start3A_65 = tpu.memref_slice %arg4[%add3A, %dma_start3A_63, %dma_start3A_64] : memref<32x40x256xi32, #tpu.memory_space<hbm>> -> memref<1x40x256xi32, #tpu.memory_space<hbm>>
      %dma_start3A_66 = tpu.memref_squeeze %dma_start3A_65 : memref<1x40x256xi32, #tpu.memory_space<hbm>> -> memref<40x256xi32, #tpu.memory_space<hbm>>
      %dma_start3A_67 = arith.constant 0 : i32
      %dma_start3A_68 = arith.constant 0 : i32
      %dma_start3A_69 = tpu.memref_slice %arg4[%add3A, %dma_start3A_67, %dma_start3A_68] : memref<32x40x256xi32, #tpu.memory_space<hbm>> -> memref<1x40x256xi32, #tpu.memory_space<hbm>>
      %dma_start3A_70 = tpu.memref_squeeze %dma_start3A_69 : memref<1x40x256xi32, #tpu.memory_space<hbm>> -> memref<40x256xi32, #tpu.memory_space<hbm>>
      tpu.enqueue_dma source(%dma_start3A_70 : memref<40x256xi32, #tpu.memory_space<hbm>>) target(%arg8 : memref<40x256xi32, #tpu.memory_space<vmem>>) target_semaphore(%run_scoped3A : memref<!tpu.dma_semaphore, #tpu.memory_space<semaphore_mem>>)
      %dma_wait3A_71 = arith.constant 0 : i32
      %dma_wait3A_72 = arith.constant 0 : i32
      %dma_wait3A_73 = tpu.memref_slice %arg4[%add3A, %dma_wait3A_71, %dma_wait3A_72] : memref<32x40x256xi32, #tpu.memory_space<hbm>> -> memref<1x40x256xi32, #tpu.memory_space<hbm>>
      %dma_wait3A_74 = tpu.memref_squeeze %dma_wait3A_73 : memref<1x40x256xi32, #tpu.memory_space<hbm>> -> memref<40x256xi32, #tpu.memory_space<hbm>>
      %dma_wait3A_75 = arith.constant 0 : i32
      %dma_wait3A_76 = arith.constant 0 : i32
      %dma_wait3A_77 = tpu.memref_slice %arg4[%add3A, %dma_wait3A_75, %dma_wait3A_76] : memref<32x40x256xi32, #tpu.memory_space<hbm>> -> memref<1x40x256xi32, #tpu.memory_space<hbm>>
      %dma_wait3A_78 = tpu.memref_squeeze %dma_wait3A_77 : memref<1x40x256xi32, #tpu.memory_space<hbm>> -> memref<40x256xi32, #tpu.memory_space<hbm>>
      tpu.wait_dma2 semaphore(%run_scoped3A : memref<!tpu.dma_semaphore, #tpu.memory_space<semaphore_mem>>) src(%dma_wait3A_78 : memref<40x256xi32, #tpu.memory_space<hbm>>) dst(%arg8 : memref<40x256xi32, #tpu.memory_space<vmem>>)
      tpu.yield
    }) : () -> ()
    %barrier3A = arith.constant 0 : index
    tpu.barrier barrier_id(%barrier3A)
    %dma_start3A = arith.constant 0 : i32
    %dma_start3A_5 = arith.constant 0 : i32
    %dma_start3A_6 = arith.constant 0 : i32
    "tpu.trace_stop"() : () -> ()
    "tpu.trace_start"() <{level = 10 : i32, message = "sc_edge_loop"}> : () -> ()
    %dma_start3A_7 = arith.constant 0 : i32
    %dma_start3A_8 = arith.constant 0 : i32
    %dma_start3A_9 = tpu.memref_slice %arg9[%dma_start3A_5, %dma_start3A_7, %dma_start3A_8] : memref<2x256x64xf32, #tpu.memory_space<vmem>> -> memref<1x256x64xf32, #tpu.memory_space<vmem>>
    %dma_start3A_10 = tpu.memref_squeeze %dma_start3A_9 : memref<1x256x64xf32, #tpu.memory_space<vmem>> -> memref<256x64xf32, #tpu.memory_space<vmem>>
    %dma_start3A_11 = arith.constant 0 : i32
    %dma_start3A_12 = tpu.memref_slice %arg7[%dma_start3A, %dma_start3A_11] : memref<40x256xi32, #tpu.memory_space<vmem>> -> memref<1x256xi32, #tpu.memory_space<vmem>>
    %dma_start3A_13 = tpu.memref_squeeze %dma_start3A_12 : memref<1x256xi32, #tpu.memory_space<vmem>> -> memref<256xi32, #tpu.memory_space<vmem>>
    %dma_start3A_14 = arith.constant 0 : i32
    %dma_start3A_15 = arith.constant 0 : i32
    %dma_start3A_16 = tpu.memref_slice %arg2[%dma_start3A_14, %dma_start3A_15] : memref<10000x64xf32, #tpu.memory_space<hbm>> -> memref<10000x64xf32, #tpu.memory_space<hbm>>
    %dma_start3A_17 = tpu.memref_slice %arg11[%dma_start3A_6] : memref<2x!tpu.dma_semaphore, #tpu.memory_space<semaphore_mem>> -> memref<1x!tpu.dma_semaphore, #tpu.memory_space<semaphore_mem>>
    %dma_start3A_18 = tpu.memref_squeeze %dma_start3A_17 : memref<1x!tpu.dma_semaphore, #tpu.memory_space<semaphore_mem>> -> memref<!tpu.dma_semaphore, #tpu.memory_space<semaphore_mem>>
    tpu.enqueue_indirect_dma source(%dma_start3A_16 : memref<10000x64xf32, #tpu.memory_space<hbm>>) target(%dma_start3A_10 : memref<256x64xf32, #tpu.memory_space<vmem>>) offsets(%dma_start3A_13 : memref<256xi32, #tpu.memory_space<vmem>>) semaphore(%dma_start3A_18 : memref<!tpu.dma_semaphore, #tpu.memory_space<semaphore_mem>>)
    %scan3A = arith.constant 0 : i32
    %scan3A_19 = arith.constant 20 : i32
    %scan3A_20 = arith.addi %scan3A, %scan3A_19 : i32
    %scan3A_21 = arith.constant 1 : i32
    scf.for %scan3A_63 = %scan3A to %scan3A_20 step %scan3A_21  : i32 {
      %mul3A_64 = arith.constant 2 : i32
      %mul3A_65 = arith.muli %scan3A_63, %mul3A_64 : i32
      %add3A_66 = arith.constant 0 : i32
      %add3A_67 = arith.addi %add3A_66, %mul3A_65 : i32
      %add3A_68 = arith.constant 0 : i32
      %add3A_69 = arith.addi %add3A_67, %add3A_68 : i32
      %add3A_70 = arith.constant 1 : i32
      %add3A_71 = arith.addi %add3A_69, %add3A_70 : i32
      %lt3A = arith.constant 40 : i32
      %lt3A_72 = arith.cmpi slt, %add3A_71, %lt3A : i32
      %convert_element_type3A = arith.extui %lt3A_72 : i1 to i32
      %cond3A = arith.constant 0 : i32
      %cond3A_73 = arith.cmpi ne, %convert_element_type3A, %cond3A : i32
      scf.if %cond3A_73 {
        %add3A_147 = arith.constant 1 : i32
        %add3A_148 = arith.addi %add3A_69, %add3A_147 : i32
        %ge3A = arith.constant 2 : i32
        %ge3A_149 = arith.cmpi sge, %add3A_148, %ge3A : i32
        %convert_element_type3A_150 = arith.extui %ge3A_149 : i1 to i32
        %cond3A_151 = arith.constant 0 : i32
        %cond3A_152 = arith.cmpi ne, %convert_element_type3A_150, %cond3A_151 : i32
        scf.if %cond3A_152 {
          %dma_wait3A_169 = arith.constant 1 : i32
          %dma_wait3A_170 = arith.constant 1 : i32
          %dma_wait3A_171 = arith.constant 0 : i32
          %dma_wait3A_172 = arith.constant 0 : i32
          %dma_wait3A_173 = tpu.memref_slice %arg9[%dma_wait3A_169, %dma_wait3A_171, %dma_wait3A_172] : memref<2x256x64xf32, #tpu.memory_space<vmem>> -> memref<1x256x64xf32, #tpu.memory_space<vmem>>
          %dma_wait3A_174 = tpu.memref_squeeze %dma_wait3A_173 : memref<1x256x64xf32, #tpu.memory_space<vmem>> -> memref<256x64xf32, #tpu.memory_space<vmem>>
          %dma_wait3A_175 = arith.constant 0 : i32
          %dma_wait3A_176 = arith.constant 0 : i32
          %dma_wait3A_177 = tpu.memref_slice %arg10[%dma_wait3A_175, %dma_wait3A_176] : memref<10112x64xf32, #tpu.memory_space<vmem_shared>> -> memref<256x64xf32, #tpu.memory_space<vmem_shared>>
          %dma_wait3A_178 = tpu.memref_slice %arg12[%dma_wait3A_170] : memref<2x!tpu.dma_semaphore, #tpu.memory_space<semaphore_mem>> -> memref<1x!tpu.dma_semaphore, #tpu.memory_space<semaphore_mem>>
          %dma_wait3A_179 = tpu.memref_squeeze %dma_wait3A_178 : memref<1x!tpu.dma_semaphore, #tpu.memory_space<semaphore_mem>> -> memref<!tpu.dma_semaphore, #tpu.memory_space<semaphore_mem>>
          %dma_wait3A_180 = arith.constant 0 : i32
          %dma_wait3A_181 = arith.constant 0 : i32
          %dma_wait3A_182 = tpu.memref_slice %arg10[%dma_wait3A_180, %dma_wait3A_181] : memref<10112x64xf32, #tpu.memory_space<vmem_shared>> -> memref<256x64xf32, #tpu.memory_space<vmem_shared>>
          %dma_wait3A_183 = arith.constant 0 : i32
          %dma_wait3A_184 = arith.constant 0 : i32
          %dma_wait3A_185 = tpu.memref_slice %arg9[%dma_wait3A_169, %dma_wait3A_183, %dma_wait3A_184] : memref<2x256x64xf32, #tpu.memory_space<vmem>> -> memref<1x256x64xf32, #tpu.memory_space<vmem>>
          %dma_wait3A_186 = tpu.memref_squeeze %dma_wait3A_185 : memref<1x256x64xf32, #tpu.memory_space<vmem>> -> memref<256x64xf32, #tpu.memory_space<vmem>>
          tpu.wait_dma2 semaphore(%dma_wait3A_179 : memref<!tpu.dma_semaphore, #tpu.memory_space<semaphore_mem>>) src(%dma_wait3A_186 : memref<256x64xf32, #tpu.memory_space<vmem>>) dst(%dma_wait3A_182 : memref<256x64xf32, #tpu.memory_space<vmem_shared>>)
        } else {
        }
        %add3A_153 = arith.constant 1 : i32
        %add3A_154 = arith.addi %add3A_69, %add3A_153 : i32
        %dma_start3A_155 = arith.constant 1 : i32
        %dma_start3A_156 = arith.constant 1 : i32
        %dma_start3A_157 = arith.constant 0 : i32
        %dma_start3A_158 = arith.constant 0 : i32
        %dma_start3A_159 = tpu.memref_slice %arg9[%dma_start3A_155, %dma_start3A_157, %dma_start3A_158] : memref<2x256x64xf32, #tpu.memory_space<vmem>> -> memref<1x256x64xf32, #tpu.memory_space<vmem>>
        %dma_start3A_160 = tpu.memref_squeeze %dma_start3A_159 : memref<1x256x64xf32, #tpu.memory_space<vmem>> -> memref<256x64xf32, #tpu.memory_space<vmem>>
        %dma_start3A_161 = arith.constant 0 : i32
        %dma_start3A_162 = tpu.memref_slice %arg7[%add3A_154, %dma_start3A_161] : memref<40x256xi32, #tpu.memory_space<vmem>> -> memref<1x256xi32, #tpu.memory_space<vmem>>
        %dma_start3A_163 = tpu.memref_squeeze %dma_start3A_162 : memref<1x256xi32, #tpu.memory_space<vmem>> -> memref<256xi32, #tpu.memory_space<vmem>>
        %dma_start3A_164 = arith.constant 0 : i32
        %dma_start3A_165 = arith.constant 0 : i32
        %dma_start3A_166 = tpu.memref_slice %arg2[%dma_start3A_164, %dma_start3A_165] : memref<10000x64xf32, #tpu.memory_space<hbm>> -> memref<10000x64xf32, #tpu.memory_space<hbm>>
        %dma_start3A_167 = tpu.memref_slice %arg11[%dma_start3A_156] : memref<2x!tpu.dma_semaphore, #tpu.memory_space<semaphore_mem>> -> memref<1x!tpu.dma_semaphore, #tpu.memory_space<semaphore_mem>>
        %dma_start3A_168 = tpu.memref_squeeze %dma_start3A_167 : memref<1x!tpu.dma_semaphore, #tpu.memory_space<semaphore_mem>> -> memref<!tpu.dma_semaphore, #tpu.memory_space<semaphore_mem>>
        tpu.enqueue_indirect_dma source(%dma_start3A_166 : memref<10000x64xf32, #tpu.memory_space<hbm>>) target(%dma_start3A_160 : memref<256x64xf32, #tpu.memory_space<vmem>>) offsets(%dma_start3A_163 : memref<256xi32, #tpu.memory_space<vmem>>) semaphore(%dma_start3A_168 : memref<!tpu.dma_semaphore, #tpu.memory_space<semaphore_mem>>)
      } else {
      }
      %dma_wait3A_74 = arith.constant 0 : i32
      %dma_wait3A_75 = arith.constant 0 : i32
      %dma_wait3A_76 = arith.constant 0 : i32
      %dma_wait3A_77 = arith.constant 0 : i32
      %dma_wait3A_78 = tpu.memref_slice %arg9[%dma_wait3A_74, %dma_wait3A_76, %dma_wait3A_77] : memref<2x256x64xf32, #tpu.memory_space<vmem>> -> memref<1x256x64xf32, #tpu.memory_space<vmem>>
      %dma_wait3A_79 = tpu.memref_squeeze %dma_wait3A_78 : memref<1x256x64xf32, #tpu.memory_space<vmem>> -> memref<256x64xf32, #tpu.memory_space<vmem>>
      %dma_wait3A_80 = arith.constant 0 : i32
      %dma_wait3A_81 = arith.constant 0 : i32
      %dma_wait3A_82 = tpu.memref_slice %arg2[%dma_wait3A_80, %dma_wait3A_81] : memref<10000x64xf32, #tpu.memory_space<hbm>> -> memref<256x64xf32, #tpu.memory_space<hbm>>
      %dma_wait3A_83 = tpu.memref_slice %arg11[%dma_wait3A_75] : memref<2x!tpu.dma_semaphore, #tpu.memory_space<semaphore_mem>> -> memref<1x!tpu.dma_semaphore, #tpu.memory_space<semaphore_mem>>
      %dma_wait3A_84 = tpu.memref_squeeze %dma_wait3A_83 : memref<1x!tpu.dma_semaphore, #tpu.memory_space<semaphore_mem>> -> memref<!tpu.dma_semaphore, #tpu.memory_space<semaphore_mem>>
      %dma_wait3A_85 = arith.constant 0 : i32
      %dma_wait3A_86 = arith.constant 0 : i32
      %dma_wait3A_87 = tpu.memref_slice %arg9[%dma_wait3A_74, %dma_wait3A_85, %dma_wait3A_86] : memref<2x256x64xf32, #tpu.memory_space<vmem>> -> memref<1x256x64xf32, #tpu.memory_space<vmem>>
      %dma_wait3A_88 = tpu.memref_squeeze %dma_wait3A_87 : memref<1x256x64xf32, #tpu.memory_space<vmem>> -> memref<256x64xf32, #tpu.memory_space<vmem>>
      %dma_wait3A_89 = arith.constant 0 : i32
      %dma_wait3A_90 = arith.constant 0 : i32
      %dma_wait3A_91 = tpu.memref_slice %arg2[%dma_wait3A_89, %dma_wait3A_90] : memref<10000x64xf32, #tpu.memory_space<hbm>> -> memref<256x64xf32, #tpu.memory_space<hbm>>
      tpu.wait_dma2 semaphore(%dma_wait3A_84 : memref<!tpu.dma_semaphore, #tpu.memory_space<semaphore_mem>>) src(%dma_wait3A_91 : memref<256x64xf32, #tpu.memory_space<hbm>>) dst(%dma_wait3A_88 : memref<256x64xf32, #tpu.memory_space<vmem>>)
      %dma_start3A_92 = arith.constant 0 : i32
      %dma_start3A_93 = arith.constant 0 : i32
      %dma_start3A_94 = arith.constant 0 : i32
      %dma_start3A_95 = arith.constant 0 : i32
      %dma_start3A_96 = tpu.memref_slice %arg9[%dma_start3A_92, %dma_start3A_94, %dma_start3A_95] : memref<2x256x64xf32, #tpu.memory_space<vmem>> -> memref<1x256x64xf32, #tpu.memory_space<vmem>>
      %dma_start3A_97 = tpu.memref_squeeze %dma_start3A_96 : memref<1x256x64xf32, #tpu.memory_space<vmem>> -> memref<256x64xf32, #tpu.memory_space<vmem>>
      %dma_start3A_98 = arith.constant 0 : i32
      %dma_start3A_99 = tpu.memref_slice %arg8[%add3A_69, %dma_start3A_98] : memref<40x256xi32, #tpu.memory_space<vmem>> -> memref<1x256xi32, #tpu.memory_space<vmem>>
      %dma_start3A_100 = tpu.memref_squeeze %dma_start3A_99 : memref<1x256xi32, #tpu.memory_space<vmem>> -> memref<256xi32, #tpu.memory_space<vmem>>
      %dma_start3A_101 = arith.constant 0 : i32
      %dma_start3A_102 = arith.constant 0 : i32
      %dma_start3A_103 = tpu.memref_slice %arg10[%dma_start3A_101, %dma_start3A_102] : memref<10112x64xf32, #tpu.memory_space<vmem_shared>> -> memref<10112x64xf32, #tpu.memory_space<vmem_shared>>
      %dma_start3A_104 = tpu.memref_slice %arg12[%dma_start3A_93] : memref<2x!tpu.dma_semaphore, #tpu.memory_space<semaphore_mem>> -> memref<1x!tpu.dma_semaphore, #tpu.memory_space<semaphore_mem>>
      %dma_start3A_105 = tpu.memref_squeeze %dma_start3A_104 : memref<1x!tpu.dma_semaphore, #tpu.memory_space<semaphore_mem>> -> memref<!tpu.dma_semaphore, #tpu.memory_space<semaphore_mem>>
      tpu.enqueue_indirect_dma source(%dma_start3A_97 : memref<256x64xf32, #tpu.memory_space<vmem>>) target(%dma_start3A_103 : memref<10112x64xf32, #tpu.memory_space<vmem_shared>>) offsets(%dma_start3A_100 : memref<256xi32, #tpu.memory_space<vmem>>) semaphore(%dma_start3A_105 : memref<!tpu.dma_semaphore, #tpu.memory_space<semaphore_mem>>) {add = true}
      %add3A_106 = arith.constant 1 : i32
      %add3A_107 = arith.addi %add3A_67, %add3A_106 : i32
      %add3A_108 = arith.constant 1 : i32
      %add3A_109 = arith.addi %add3A_107, %add3A_108 : i32
      %lt3A_110 = arith.constant 40 : i32
      %lt3A_111 = arith.cmpi slt, %add3A_109, %lt3A_110 : i32
      %convert_element_type3A_112 = arith.extui %lt3A_111 : i1 to i32
      %cond3A_113 = arith.constant 0 : i32
      %cond3A_114 = arith.cmpi ne, %convert_element_type3A_112, %cond3A_113 : i32
      scf.if %cond3A_114 {
        %add3A_147 = arith.constant 1 : i32
        %add3A_148 = arith.addi %add3A_107, %add3A_147 : i32
        %ge3A = arith.constant 2 : i32
        %ge3A_149 = arith.cmpi sge, %add3A_148, %ge3A : i32
        %convert_element_type3A_150 = arith.extui %ge3A_149 : i1 to i32
        %cond3A_151 = arith.constant 0 : i32
        %cond3A_152 = arith.cmpi ne, %convert_element_type3A_150, %cond3A_151 : i32
        scf.if %cond3A_152 {
          %dma_wait3A_169 = arith.constant 0 : i32
          %dma_wait3A_170 = arith.constant 0 : i32
          %dma_wait3A_171 = arith.constant 0 : i32
          %dma_wait3A_172 = arith.constant 0 : i32
          %dma_wait3A_173 = tpu.memref_slice %arg9[%dma_wait3A_169, %dma_wait3A_171, %dma_wait3A_172] : memref<2x256x64xf32, #tpu.memory_space<vmem>> -> memref<1x256x64xf32, #tpu.memory_space<vmem>>
          %dma_wait3A_174 = tpu.memref_squeeze %dma_wait3A_173 : memref<1x256x64xf32, #tpu.memory_space<vmem>> -> memref<256x64xf32, #tpu.memory_space<vmem>>
          %dma_wait3A_175 = arith.constant 0 : i32
          %dma_wait3A_176 = arith.constant 0 : i32
          %dma_wait3A_177 = tpu.memref_slice %arg10[%dma_wait3A_175, %dma_wait3A_176] : memref<10112x64xf32, #tpu.memory_space<vmem_shared>> -> memref<256x64xf32, #tpu.memory_space<vmem_shared>>
          %dma_wait3A_178 = tpu.memref_slice %arg12[%dma_wait3A_170] : memref<2x!tpu.dma_semaphore, #tpu.memory_space<semaphore_mem>> -> memref<1x!tpu.dma_semaphore, #tpu.memory_space<semaphore_mem>>
          %dma_wait3A_179 = tpu.memref_squeeze %dma_wait3A_178 : memref<1x!tpu.dma_semaphore, #tpu.memory_space<semaphore_mem>> -> memref<!tpu.dma_semaphore, #tpu.memory_space<semaphore_mem>>
          %dma_wait3A_180 = arith.constant 0 : i32
          %dma_wait3A_181 = arith.constant 0 : i32
          %dma_wait3A_182 = tpu.memref_slice %arg10[%dma_wait3A_180, %dma_wait3A_181] : memref<10112x64xf32, #tpu.memory_space<vmem_shared>> -> memref<256x64xf32, #tpu.memory_space<vmem_shared>>
          %dma_wait3A_183 = arith.constant 0 : i32
          %dma_wait3A_184 = arith.constant 0 : i32
          %dma_wait3A_185 = tpu.memref_slice %arg9[%dma_wait3A_169, %dma_wait3A_183, %dma_wait3A_184] : memref<2x256x64xf32, #tpu.memory_space<vmem>> -> memref<1x256x64xf32, #tpu.memory_space<vmem>>
          %dma_wait3A_186 = tpu.memref_squeeze %dma_wait3A_185 : memref<1x256x64xf32, #tpu.memory_space<vmem>> -> memref<256x64xf32, #tpu.memory_space<vmem>>
          tpu.wait_dma2 semaphore(%dma_wait3A_179 : memref<!tpu.dma_semaphore, #tpu.memory_space<semaphore_mem>>) src(%dma_wait3A_186 : memref<256x64xf32, #tpu.memory_space<vmem>>) dst(%dma_wait3A_182 : memref<256x64xf32, #tpu.memory_space<vmem_shared>>)
        } else {
        }
        %add3A_153 = arith.constant 1 : i32
        %add3A_154 = arith.addi %add3A_107, %add3A_153 : i32
        %dma_start3A_155 = arith.constant 0 : i32
        %dma_start3A_156 = arith.constant 0 : i32
        %dma_start3A_157 = arith.constant 0 : i32
        %dma_start3A_158 = arith.constant 0 : i32
        %dma_start3A_159 = tpu.memref_slice %arg9[%dma_start3A_155, %dma_start3A_157, %dma_start3A_158] : memref<2x256x64xf32, #tpu.memory_space<vmem>> -> memref<1x256x64xf32, #tpu.memory_space<vmem>>
        %dma_start3A_160 = tpu.memref_squeeze %dma_start3A_159 : memref<1x256x64xf32, #tpu.memory_space<vmem>> -> memref<256x64xf32, #tpu.memory_space<vmem>>
        %dma_start3A_161 = arith.constant 0 : i32
        %dma_start3A_162 = tpu.memref_slice %arg7[%add3A_154, %dma_start3A_161] : memref<40x256xi32, #tpu.memory_space<vmem>> -> memref<1x256xi32, #tpu.memory_space<vmem>>
        %dma_start3A_163 = tpu.memref_squeeze %dma_start3A_162 : memref<1x256xi32, #tpu.memory_space<vmem>> -> memref<256xi32, #tpu.memory_space<vmem>>
        %dma_start3A_164 = arith.constant 0 : i32
        %dma_start3A_165 = arith.constant 0 : i32
        %dma_start3A_166 = tpu.memref_slice %arg2[%dma_start3A_164, %dma_start3A_165] : memref<10000x64xf32, #tpu.memory_space<hbm>> -> memref<10000x64xf32, #tpu.memory_space<hbm>>
        %dma_start3A_167 = tpu.memref_slice %arg11[%dma_start3A_156] : memref<2x!tpu.dma_semaphore, #tpu.memory_space<semaphore_mem>> -> memref<1x!tpu.dma_semaphore, #tpu.memory_space<semaphore_mem>>
        %dma_start3A_168 = tpu.memref_squeeze %dma_start3A_167 : memref<1x!tpu.dma_semaphore, #tpu.memory_space<semaphore_mem>> -> memref<!tpu.dma_semaphore, #tpu.memory_space<semaphore_mem>>
        tpu.enqueue_indirect_dma source(%dma_start3A_166 : memref<10000x64xf32, #tpu.memory_space<hbm>>) target(%dma_start3A_160 : memref<256x64xf32, #tpu.memory_space<vmem>>) offsets(%dma_start3A_163 : memref<256xi32, #tpu.memory_space<vmem>>) semaphore(%dma_start3A_168 : memref<!tpu.dma_semaphore, #tpu.memory_space<semaphore_mem>>)
      } else {
      }
      %dma_wait3A_115 = arith.constant 1 : i32
      %dma_wait3A_116 = arith.constant 1 : i32
      %dma_wait3A_117 = arith.constant 0 : i32
      %dma_wait3A_118 = arith.constant 0 : i32
      %dma_wait3A_119 = tpu.memref_slice %arg9[%dma_wait3A_115, %dma_wait3A_117, %dma_wait3A_118] : memref<2x256x64xf32, #tpu.memory_space<vmem>> -> memref<1x256x64xf32, #tpu.memory_space<vmem>>
      %dma_wait3A_120 = tpu.memref_squeeze %dma_wait3A_119 : memref<1x256x64xf32, #tpu.memory_space<vmem>> -> memref<256x64xf32, #tpu.memory_space<vmem>>
      %dma_wait3A_121 = arith.constant 0 : i32
      %dma_wait3A_122 = arith.constant 0 : i32
      %dma_wait3A_123 = tpu.memref_slice %arg2[%dma_wait3A_121, %dma_wait3A_122] : memref<10000x64xf32, #tpu.memory_space<hbm>> -> memref<256x64xf32, #tpu.memory_space<hbm>>
      %dma_wait3A_124 = tpu.memref_slice %arg11[%dma_wait3A_116] : memref<2x!tpu.dma_semaphore, #tpu.memory_space<semaphore_mem>> -> memref<1x!tpu.dma_semaphore, #tpu.memory_space<semaphore_mem>>
      %dma_wait3A_125 = tpu.memref_squeeze %dma_wait3A_124 : memref<1x!tpu.dma_semaphore, #tpu.memory_space<semaphore_mem>> -> memref<!tpu.dma_semaphore, #tpu.memory_space<semaphore_mem>>
      %dma_wait3A_126 = arith.constant 0 : i32
      %dma_wait3A_127 = arith.constant 0 : i32
      %dma_wait3A_128 = tpu.memref_slice %arg9[%dma_wait3A_115, %dma_wait3A_126, %dma_wait3A_127] : memref<2x256x64xf32, #tpu.memory_space<vmem>> -> memref<1x256x64xf32, #tpu.memory_space<vmem>>
      %dma_wait3A_129 = tpu.memref_squeeze %dma_wait3A_128 : memref<1x256x64xf32, #tpu.memory_space<vmem>> -> memref<256x64xf32, #tpu.memory_space<vmem>>
      %dma_wait3A_130 = arith.constant 0 : i32
      %dma_wait3A_131 = arith.constant 0 : i32
      %dma_wait3A_132 = tpu.memref_slice %arg2[%dma_wait3A_130, %dma_wait3A_131] : memref<10000x64xf32, #tpu.memory_space<hbm>> -> memref<256x64xf32, #tpu.memory_space<hbm>>
      tpu.wait_dma2 semaphore(%dma_wait3A_125 : memref<!tpu.dma_semaphore, #tpu.memory_space<semaphore_mem>>) src(%dma_wait3A_132 : memref<256x64xf32, #tpu.memory_space<hbm>>) dst(%dma_wait3A_129 : memref<256x64xf32, #tpu.memory_space<vmem>>)
      %dma_start3A_133 = arith.constant 1 : i32
      %dma_start3A_134 = arith.constant 1 : i32
      %dma_start3A_135 = arith.constant 0 : i32
      %dma_start3A_136 = arith.constant 0 : i32
      %dma_start3A_137 = tpu.memref_slice %arg9[%dma_start3A_133, %dma_start3A_135, %dma_start3A_136] : memref<2x256x64xf32, #tpu.memory_space<vmem>> -> memref<1x256x64xf32, #tpu.memory_space<vmem>>
      %dma_start3A_138 = tpu.memref_squeeze %dma_start3A_137 : memref<1x256x64xf32, #tpu.memory_space<vmem>> -> memref<256x64xf32, #tpu.memory_space<vmem>>
      %dma_start3A_139 = arith.constant 0 : i32
      %dma_start3A_140 = tpu.memref_slice %arg8[%add3A_107, %dma_start3A_139] : memref<40x256xi32, #tpu.memory_space<vmem>> -> memref<1x256xi32, #tpu.memory_space<vmem>>
      %dma_start3A_141 = tpu.memref_squeeze %dma_start3A_140 : memref<1x256xi32, #tpu.memory_space<vmem>> -> memref<256xi32, #tpu.memory_space<vmem>>
      %dma_start3A_142 = arith.constant 0 : i32
      %dma_start3A_143 = arith.constant 0 : i32
      %dma_start3A_144 = tpu.memref_slice %arg10[%dma_start3A_142, %dma_start3A_143] : memref<10112x64xf32, #tpu.memory_space<vmem_shared>> -> memref<10112x64xf32, #tpu.memory_space<vmem_shared>>
      %dma_start3A_145 = tpu.memref_slice %arg12[%dma_start3A_134] : memref<2x!tpu.dma_semaphore, #tpu.memory_space<semaphore_mem>> -> memref<1x!tpu.dma_semaphore, #tpu.memory_space<semaphore_mem>>
      %dma_start3A_146 = tpu.memref_squeeze %dma_start3A_145 : memref<1x!tpu.dma_semaphore, #tpu.memory_space<semaphore_mem>> -> memref<!tpu.dma_semaphore, #tpu.memory_space<semaphore_mem>>
      tpu.enqueue_indirect_dma source(%dma_start3A_138 : memref<256x64xf32, #tpu.memory_space<vmem>>) target(%dma_start3A_144 : memref<10112x64xf32, #tpu.memory_space<vmem_shared>>) offsets(%dma_start3A_141 : memref<256xi32, #tpu.memory_space<vmem>>) semaphore(%dma_start3A_146 : memref<!tpu.dma_semaphore, #tpu.memory_space<semaphore_mem>>) {add = true}
    }
    %scan3A_22 = arith.constant 20 : i32
    %dma_wait3A = arith.constant 0 : i32
    %dma_wait3A_23 = arith.constant 0 : i32
    %dma_wait3A_24 = arith.constant 0 : i32
    %dma_wait3A_25 = arith.constant 0 : i32
    %dma_wait3A_26 = tpu.memref_slice %arg9[%dma_wait3A, %dma_wait3A_24, %dma_wait3A_25] : memref<2x256x64xf32, #tpu.memory_space<vmem>> -> memref<1x256x64xf32, #tpu.memory_space<vmem>>
    %dma_wait3A_27 = tpu.memref_squeeze %dma_wait3A_26 : memref<1x256x64xf32, #tpu.memory_space<vmem>> -> memref<256x64xf32, #tpu.memory_space<vmem>>
    %dma_wait3A_28 = arith.constant 0 : i32
    %dma_wait3A_29 = arith.constant 0 : i32
    %dma_wait3A_30 = tpu.memref_slice %arg10[%dma_wait3A_28, %dma_wait3A_29] : memref<10112x64xf32, #tpu.memory_space<vmem_shared>> -> memref<256x64xf32, #tpu.memory_space<vmem_shared>>
    %dma_wait3A_31 = tpu.memref_slice %arg12[%dma_wait3A_23] : memref<2x!tpu.dma_semaphore, #tpu.memory_space<semaphore_mem>> -> memref<1x!tpu.dma_semaphore, #tpu.memory_space<semaphore_mem>>
    %dma_wait3A_32 = tpu.memref_squeeze %dma_wait3A_31 : memref<1x!tpu.dma_semaphore, #tpu.memory_space<semaphore_mem>> -> memref<!tpu.dma_semaphore, #tpu.memory_space<semaphore_mem>>
    %dma_wait3A_33 = arith.constant 0 : i32
    %dma_wait3A_34 = arith.constant 0 : i32
    %dma_wait3A_35 = tpu.memref_slice %arg10[%dma_wait3A_33, %dma_wait3A_34] : memref<10112x64xf32, #tpu.memory_space<vmem_shared>> -> memref<256x64xf32, #tpu.memory_space<vmem_shared>>
    %dma_wait3A_36 = arith.constant 0 : i32
    %dma_wait3A_37 = arith.constant 0 : i32
    %dma_wait3A_38 = tpu.memref_slice %arg9[%dma_wait3A, %dma_wait3A_36, %dma_wait3A_37] : memref<2x256x64xf32, #tpu.memory_space<vmem>> -> memref<1x256x64xf32, #tpu.memory_space<vmem>>
    %dma_wait3A_39 = tpu.memref_squeeze %dma_wait3A_38 : memref<1x256x64xf32, #tpu.memory_space<vmem>> -> memref<256x64xf32, #tpu.memory_space<vmem>>
    tpu.wait_dma2 semaphore(%dma_wait3A_32 : memref<!tpu.dma_semaphore, #tpu.memory_space<semaphore_mem>>) src(%dma_wait3A_39 : memref<256x64xf32, #tpu.memory_space<vmem>>) dst(%dma_wait3A_35 : memref<256x64xf32, #tpu.memory_space<vmem_shared>>)
    %dma_wait3A_40 = arith.constant 1 : i32
    %dma_wait3A_41 = arith.constant 1 : i32
    %dma_wait3A_42 = arith.constant 0 : i32
    %dma_wait3A_43 = arith.constant 0 : i32
    %dma_wait3A_44 = tpu.memref_slice %arg9[%dma_wait3A_40, %dma_wait3A_42, %dma_wait3A_43] : memref<2x256x64xf32, #tpu.memory_space<vmem>> -> memref<1x256x64xf32, #tpu.memory_space<vmem>>
    %dma_wait3A_45 = tpu.memref_squeeze %dma_wait3A_44 : memref<1x256x64xf32, #tpu.memory_space<vmem>> -> memref<256x64xf32, #tpu.memory_space<vmem>>
    %dma_wait3A_46 = arith.constant 0 : i32
    %dma_wait3A_47 = arith.constant 0 : i32
    %dma_wait3A_48 = tpu.memref_slice %arg10[%dma_wait3A_46, %dma_wait3A_47] : memref<10112x64xf32, #tpu.memory_space<vmem_shared>> -> memref<256x64xf32, #tpu.memory_space<vmem_shared>>
    %dma_wait3A_49 = tpu.memref_slice %arg12[%dma_wait3A_41] : memref<2x!tpu.dma_semaphore, #tpu.memory_space<semaphore_mem>> -> memref<1x!tpu.dma_semaphore, #tpu.memory_space<semaphore_mem>>
    %dma_wait3A_50 = tpu.memref_squeeze %dma_wait3A_49 : memref<1x!tpu.dma_semaphore, #tpu.memory_space<semaphore_mem>> -> memref<!tpu.dma_semaphore, #tpu.memory_space<semaphore_mem>>
    %dma_wait3A_51 = arith.constant 0 : i32
    %dma_wait3A_52 = arith.constant 0 : i32
    %dma_wait3A_53 = tpu.memref_slice %arg10[%dma_wait3A_51, %dma_wait3A_52] : memref<10112x64xf32, #tpu.memory_space<vmem_shared>> -> memref<256x64xf32, #tpu.memory_space<vmem_shared>>
    %dma_wait3A_54 = arith.constant 0 : i32
    %dma_wait3A_55 = arith.constant 0 : i32
    %dma_wait3A_56 = tpu.memref_slice %arg9[%dma_wait3A_40, %dma_wait3A_54, %dma_wait3A_55] : memref<2x256x64xf32, #tpu.memory_space<vmem>> -> memref<1x256x64xf32, #tpu.memory_space<vmem>>
    %dma_wait3A_57 = tpu.memref_squeeze %dma_wait3A_56 : memref<1x256x64xf32, #tpu.memory_space<vmem>> -> memref<256x64xf32, #tpu.memory_space<vmem>>
    tpu.wait_dma2 semaphore(%dma_wait3A_50 : memref<!tpu.dma_semaphore, #tpu.memory_space<semaphore_mem>>) src(%dma_wait3A_57 : memref<256x64xf32, #tpu.memory_space<vmem>>) dst(%dma_wait3A_53 : memref<256x64xf32, #tpu.memory_space<vmem_shared>>)
    "tpu.trace_stop"() : () -> ()
    "tpu.trace_start"() <{level = 10 : i32, message = "sc_epilogue"}> : () -> ()
    %barrier3A_58 = arith.constant 0 : index
    tpu.barrier barrier_id(%barrier3A_58)
    %mul3A_59 = arith.constant 632 : i32
    %mul3A_60 = arith.muli %arg1, %mul3A_59 : i32
    %mul3A_61 = arith.constant 632 : i32
    %mul3A_62 = arith.muli %arg1, %mul3A_61 : i32
    "tpu.region"() ({
      %run_scoped3A = tpu.sem_alloc : memref<!tpu.dma_semaphore, #tpu.memory_space<semaphore_mem>>
      %dma_start3A_63 = arith.constant 0 : i32
      %dma_start3A_64 = tpu.memref_slice %arg6[%arg0, %mul3A_62, %dma_start3A_63] : memref<2x10112x64xf32, #tpu.memory_space<hbm>> -> memref<1x632x64xf32, #tpu.memory_space<hbm>>
      %dma_start3A_65 = tpu.memref_squeeze %dma_start3A_64 : memref<1x632x64xf32, #tpu.memory_space<hbm>> -> memref<632x64xf32, #tpu.memory_space<hbm>>
      %dma_start3A_66 = arith.constant 0 : i32
      %dma_start3A_67 = tpu.memref_slice %arg10[%mul3A_60, %dma_start3A_66] : memref<10112x64xf32, #tpu.memory_space<vmem_shared>> -> memref<632x64xf32, #tpu.memory_space<vmem_shared>>
      tpu.enqueue_dma source(%dma_start3A_67 : memref<632x64xf32, #tpu.memory_space<vmem_shared>>) target(%dma_start3A_65 : memref<632x64xf32, #tpu.memory_space<hbm>>) target_semaphore(%run_scoped3A : memref<!tpu.dma_semaphore, #tpu.memory_space<semaphore_mem>>)
      %dma_wait3A_68 = arith.constant 0 : i32
      %dma_wait3A_69 = tpu.memref_slice %arg6[%arg0, %mul3A_62, %dma_wait3A_68] : memref<2x10112x64xf32, #tpu.memory_space<hbm>> -> memref<1x632x64xf32, #tpu.memory_space<hbm>>
      %dma_wait3A_70 = tpu.memref_squeeze %dma_wait3A_69 : memref<1x632x64xf32, #tpu.memory_space<hbm>> -> memref<632x64xf32, #tpu.memory_space<hbm>>
      %dma_wait3A_71 = arith.constant 0 : i32
      %dma_wait3A_72 = tpu.memref_slice %arg10[%mul3A_60, %dma_wait3A_71] : memref<10112x64xf32, #tpu.memory_space<vmem_shared>> -> memref<632x64xf32, #tpu.memory_space<vmem_shared>>
      tpu.wait_dma2 semaphore(%run_scoped3A : memref<!tpu.dma_semaphore, #tpu.memory_space<semaphore_mem>>) src(%dma_wait3A_72 : memref<632x64xf32, #tpu.memory_space<vmem_shared>>) dst(%dma_wait3A_70 : memref<632x64xf32, #tpu.memory_space<hbm>>)
      tpu.yield
    }) : () -> ()
    "tpu.trace_stop"() : () -> ()
    return
  }
}

#map = affine_map<(d0, d1) -> (0, 0)>
#map1 = affine_map<(d0, d1) -> (0, 0, 0)>
module attributes {stable_mosaic.version = 14 : i64} {
  func.func @_sc_agg(%arg0: i32, %arg1: i32, %arg2: memref<10000x64xf32, #tpu.memory_space<hbm>>, %arg3: memref<32x40x256xi32, #tpu.memory_space<hbm>>, %arg4: memref<32x40x256xi32, #tpu.memory_space<hbm>>, %arg5: memref<10112x64xf32, #tpu.memory_space<hbm>>, %arg6: memref<2x10112x64xf32, #tpu.memory_space<hbm>>, %arg7: memref<40x256xi32, #tpu.memory_space<vmem>>, %arg8: memref<40x256xi32, #tpu.memory_space<vmem>>, %arg9: memref<2x256x64xf32, #tpu.memory_space<vmem>>, %arg10: memref<10112x64xf32, #tpu.memory_space<vmem_shared>>, %arg11: memref<2x!tpu.dma_semaphore, #tpu.memory_space<semaphore_mem>>, %arg12: memref<2x!tpu.dma_semaphore, #tpu.memory_space<semaphore_mem>>) attributes {dimension_semantics = [#tpu.dimension_semantics<core_parallel>, #tpu.dimension_semantics<subcore_parallel>], iteration_bounds = array<i64: 2, 16>, scalar_prefetch = 0 : i64, scratch_operands = 6 : i64, tpu.core_type = #tpu.core_type<sc_vector_subcore>, window_params = [{transform_indices = #map}, {transform_indices = #map1}, {transform_indices = #map1}, {transform_indices = #map}, {transform_indices = #map1}]} {
    %mul3A = arith.constant 16 : i32
    %mul3A_0 = arith.muli %arg0, %mul3A : i32
    %add3A = arith.addi %mul3A_0, %arg1 : i32
    "tpu.trace_start"() <{level = 10 : i32, message = "sc_prologue"}> : () -> ()
    %mul3A_1 = arith.constant 632 : i32
    %mul3A_2 = arith.muli %arg1, %mul3A_1 : i32
    %mul3A_3 = arith.constant 632 : i32
    %mul3A_4 = arith.muli %arg1, %mul3A_3 : i32
    "tpu.region"() ({
      %run_scoped3A = tpu.sem_alloc : memref<!tpu.dma_semaphore, #tpu.memory_space<semaphore_mem>>
      %dma_start3A_63 = arith.constant 0 : i32
      %dma_start3A_64 = tpu.memref_slice %arg10[%mul3A_4, %dma_start3A_63] : memref<10112x64xf32, #tpu.memory_space<vmem_shared>> -> memref<632x64xf32, #tpu.memory_space<vmem_shared>>
      %dma_start3A_65 = arith.constant 0 : i32
      %dma_start3A_66 = tpu.memref_slice %arg5[%mul3A_2, %dma_start3A_65] : memref<10112x64xf32, #tpu.memory_space<hbm>> -> memref<632x64xf32, #tpu.memory_space<hbm>>
      tpu.enqueue_dma source(%dma_start3A_66 : memref<632x64xf32, #tpu.memory_space<hbm>>) target(%dma_start3A_64 : memref<632x64xf32, #tpu.memory_space<vmem_shared>>) target_semaphore(%run_scoped3A : memref<!tpu.dma_semaphore, #tpu.memory_space<semaphore_mem>>)
      %dma_wait3A_67 = arith.constant 0 : i32
      %dma_wait3A_68 = tpu.memref_slice %arg10[%mul3A_4, %dma_wait3A_67] : memref<10112x64xf32, #tpu.memory_space<vmem_shared>> -> memref<632x64xf32, #tpu.memory_space<vmem_shared>>
      %dma_wait3A_69 = arith.constant 0 : i32
      %dma_wait3A_70 = tpu.memref_slice %arg5[%mul3A_2, %dma_wait3A_69] : memref<10112x64xf32, #tpu.memory_space<hbm>> -> memref<632x64xf32, #tpu.memory_space<hbm>>
      tpu.wait_dma2 semaphore(%run_scoped3A : memref<!tpu.dma_semaphore, #tpu.memory_space<semaphore_mem>>) src(%dma_wait3A_70 : memref<632x64xf32, #tpu.memory_space<hbm>>) dst(%dma_wait3A_68 : memref<632x64xf32, #tpu.memory_space<vmem_shared>>)
      tpu.yield
    }) : () -> ()
    "tpu.region"() ({
      %run_scoped3A = tpu.sem_alloc : memref<!tpu.dma_semaphore, #tpu.memory_space<semaphore_mem>>
      %dma_start3A_63 = arith.constant 0 : i32
      %dma_start3A_64 = arith.constant 0 : i32
      %dma_start3A_65 = tpu.memref_slice %arg3[%add3A, %dma_start3A_63, %dma_start3A_64] : memref<32x40x256xi32, #tpu.memory_space<hbm>> -> memref<1x40x256xi32, #tpu.memory_space<hbm>>
      %dma_start3A_66 = tpu.memref_squeeze %dma_start3A_65 : memref<1x40x256xi32, #tpu.memory_space<hbm>> -> memref<40x256xi32, #tpu.memory_space<hbm>>
      %dma_start3A_67 = arith.constant 0 : i32
      %dma_start3A_68 = arith.constant 0 : i32
      %dma_start3A_69 = tpu.memref_slice %arg3[%add3A, %dma_start3A_67, %dma_start3A_68] : memref<32x40x256xi32, #tpu.memory_space<hbm>> -> memref<1x40x256xi32, #tpu.memory_space<hbm>>
      %dma_start3A_70 = tpu.memref_squeeze %dma_start3A_69 : memref<1x40x256xi32, #tpu.memory_space<hbm>> -> memref<40x256xi32, #tpu.memory_space<hbm>>
      tpu.enqueue_dma source(%dma_start3A_70 : memref<40x256xi32, #tpu.memory_space<hbm>>) target(%arg7 : memref<40x256xi32, #tpu.memory_space<vmem>>) target_semaphore(%run_scoped3A : memref<!tpu.dma_semaphore, #tpu.memory_space<semaphore_mem>>)
      %dma_wait3A_71 = arith.constant 0 : i32
      %dma_wait3A_72 = arith.constant 0 : i32
      %dma_wait3A_73 = tpu.memref_slice %arg3[%add3A, %dma_wait3A_71, %dma_wait3A_72] : memref<32x40x256xi32, #tpu.memory_space<hbm>> -> memref<1x40x256xi32, #tpu.memory_space<hbm>>
      %dma_wait3A_74 = tpu.memref_squeeze %dma_wait3A_73 : memref<1x40x256xi32, #tpu.memory_space<hbm>> -> memref<40x256xi32, #tpu.memory_space<hbm>>
      %dma_wait3A_75 = arith.constant 0 : i32
      %dma_wait3A_76 = arith.constant 0 : i32
      %dma_wait3A_77 = tpu.memref_slice %arg3[%add3A, %dma_wait3A_75, %dma_wait3A_76] : memref<32x40x256xi32, #tpu.memory_space<hbm>> -> memref<1x40x256xi32, #tpu.memory_space<hbm>>
      %dma_wait3A_78 = tpu.memref_squeeze %dma_wait3A_77 : memref<1x40x256xi32, #tpu.memory_space<hbm>> -> memref<40x256xi32, #tpu.memory_space<hbm>>
      tpu.wait_dma2 semaphore(%run_scoped3A : memref<!tpu.dma_semaphore, #tpu.memory_space<semaphore_mem>>) src(%dma_wait3A_78 : memref<40x256xi32, #tpu.memory_space<hbm>>) dst(%arg7 : memref<40x256xi32, #tpu.memory_space<vmem>>)
      tpu.yield
    }) : () -> ()
    "tpu.region"() ({
      %run_scoped3A = tpu.sem_alloc : memref<!tpu.dma_semaphore, #tpu.memory_space<semaphore_mem>>
      %dma_start3A_63 = arith.constant 0 : i32
      %dma_start3A_64 = arith.constant 0 : i32
      %dma_start3A_65 = tpu.memref_slice %arg4[%add3A, %dma_start3A_63, %dma_start3A_64] : memref<32x40x256xi32, #tpu.memory_space<hbm>> -> memref<1x40x256xi32, #tpu.memory_space<hbm>>
      %dma_start3A_66 = tpu.memref_squeeze %dma_start3A_65 : memref<1x40x256xi32, #tpu.memory_space<hbm>> -> memref<40x256xi32, #tpu.memory_space<hbm>>
      %dma_start3A_67 = arith.constant 0 : i32
      %dma_start3A_68 = arith.constant 0 : i32
      %dma_start3A_69 = tpu.memref_slice %arg4[%add3A, %dma_start3A_67, %dma_start3A_68] : memref<32x40x256xi32, #tpu.memory_space<hbm>> -> memref<1x40x256xi32, #tpu.memory_space<hbm>>
      %dma_start3A_70 = tpu.memref_squeeze %dma_start3A_69 : memref<1x40x256xi32, #tpu.memory_space<hbm>> -> memref<40x256xi32, #tpu.memory_space<hbm>>
      tpu.enqueue_dma source(%dma_start3A_70 : memref<40x256xi32, #tpu.memory_space<hbm>>) target(%arg8 : memref<40x256xi32, #tpu.memory_space<vmem>>) target_semaphore(%run_scoped3A : memref<!tpu.dma_semaphore, #tpu.memory_space<semaphore_mem>>)
      %dma_wait3A_71 = arith.constant 0 : i32
      %dma_wait3A_72 = arith.constant 0 : i32
      %dma_wait3A_73 = tpu.memref_slice %arg4[%add3A, %dma_wait3A_71, %dma_wait3A_72] : memref<32x40x256xi32, #tpu.memory_space<hbm>> -> memref<1x40x256xi32, #tpu.memory_space<hbm>>
      %dma_wait3A_74 = tpu.memref_squeeze %dma_wait3A_73 : memref<1x40x256xi32, #tpu.memory_space<hbm>> -> memref<40x256xi32, #tpu.memory_space<hbm>>
      %dma_wait3A_75 = arith.constant 0 : i32
      %dma_wait3A_76 = arith.constant 0 : i32
      %dma_wait3A_77 = tpu.memref_slice %arg4[%add3A, %dma_wait3A_75, %dma_wait3A_76] : memref<32x40x256xi32, #tpu.memory_space<hbm>> -> memref<1x40x256xi32, #tpu.memory_space<hbm>>
      %dma_wait3A_78 = tpu.memref_squeeze %dma_wait3A_77 : memref<1x40x256xi32, #tpu.memory_space<hbm>> -> memref<40x256xi32, #tpu.memory_space<hbm>>
      tpu.wait_dma2 semaphore(%run_scoped3A : memref<!tpu.dma_semaphore, #tpu.memory_space<semaphore_mem>>) src(%dma_wait3A_78 : memref<40x256xi32, #tpu.memory_space<hbm>>) dst(%arg8 : memref<40x256xi32, #tpu.memory_space<vmem>>)
      tpu.yield
    }) : () -> ()
    %barrier3A = arith.constant 0 : index
    tpu.barrier barrier_id(%barrier3A)
    %dma_start3A = arith.constant 0 : i32
    %dma_start3A_5 = arith.constant 0 : i32
    %dma_start3A_6 = arith.constant 0 : i32
    "tpu.trace_stop"() : () -> ()
    "tpu.trace_start"() <{level = 10 : i32, message = "sc_edge_loop"}> : () -> ()
    %dma_start3A_7 = arith.constant 0 : i32
    %dma_start3A_8 = arith.constant 0 : i32
    %dma_start3A_9 = tpu.memref_slice %arg9[%dma_start3A_5, %dma_start3A_7, %dma_start3A_8] : memref<2x256x64xf32, #tpu.memory_space<vmem>> -> memref<1x256x64xf32, #tpu.memory_space<vmem>>
    %dma_start3A_10 = tpu.memref_squeeze %dma_start3A_9 : memref<1x256x64xf32, #tpu.memory_space<vmem>> -> memref<256x64xf32, #tpu.memory_space<vmem>>
    %dma_start3A_11 = arith.constant 0 : i32
    %dma_start3A_12 = tpu.memref_slice %arg7[%dma_start3A, %dma_start3A_11] : memref<40x256xi32, #tpu.memory_space<vmem>> -> memref<1x256xi32, #tpu.memory_space<vmem>>
    %dma_start3A_13 = tpu.memref_squeeze %dma_start3A_12 : memref<1x256xi32, #tpu.memory_space<vmem>> -> memref<256xi32, #tpu.memory_space<vmem>>
    %dma_start3A_14 = arith.constant 0 : i32
    %dma_start3A_15 = arith.constant 0 : i32
    %dma_start3A_16 = tpu.memref_slice %arg2[%dma_start3A_14, %dma_start3A_15] : memref<10000x64xf32, #tpu.memory_space<hbm>> -> memref<10000x64xf32, #tpu.memory_space<hbm>>
    %dma_start3A_17 = tpu.memref_slice %arg11[%dma_start3A_6] : memref<2x!tpu.dma_semaphore, #tpu.memory_space<semaphore_mem>> -> memref<1x!tpu.dma_semaphore, #tpu.memory_space<semaphore_mem>>
    %dma_start3A_18 = tpu.memref_squeeze %dma_start3A_17 : memref<1x!tpu.dma_semaphore, #tpu.memory_space<semaphore_mem>> -> memref<!tpu.dma_semaphore, #tpu.memory_space<semaphore_mem>>
    tpu.enqueue_indirect_dma source(%dma_start3A_16 : memref<10000x64xf32, #tpu.memory_space<hbm>>) target(%dma_start3A_10 : memref<256x64xf32, #tpu.memory_space<vmem>>) offsets(%dma_start3A_13 : memref<256xi32, #tpu.memory_space<vmem>>) semaphore(%dma_start3A_18 : memref<!tpu.dma_semaphore, #tpu.memory_space<semaphore_mem>>)
    %scan3A = arith.constant 0 : i32
    %scan3A_19 = arith.constant 20 : i32
    %scan3A_20 = arith.addi %scan3A, %scan3A_19 : i32
    %scan3A_21 = arith.constant 1 : i32
    scf.for %scan3A_63 = %scan3A to %scan3A_20 step %scan3A_21  : i32 {
      %mul3A_64 = arith.constant 2 : i32
      %mul3A_65 = arith.muli %scan3A_63, %mul3A_64 : i32
      %add3A_66 = arith.constant 0 : i32
      %add3A_67 = arith.addi %add3A_66, %mul3A_65 : i32
      %add3A_68 = arith.constant 0 : i32
      %add3A_69 = arith.addi %add3A_67, %add3A_68 : i32
      %add3A_70 = arith.constant 1 : i32
      %add3A_71 = arith.addi %add3A_69, %add3A_70 : i32
      %lt3A = arith.constant 40 : i32
      %lt3A_72 = arith.cmpi slt, %add3A_71, %lt3A : i32
      %convert_element_type3A = arith.extui %lt3A_72 : i1 to i32
      %cond3A = arith.constant 0 : i32
      %cond3A_73 = arith.cmpi ne, %convert_element_type3A, %cond3A : i32
      scf.if %cond3A_73 {
        %add3A_147 = arith.constant 1 : i32
        %add3A_148 = arith.addi %add3A_69, %add3A_147 : i32
        %ge3A = arith.constant 2 : i32
        %ge3A_149 = arith.cmpi sge, %add3A_148, %ge3A : i32
        %convert_element_type3A_150 = arith.extui %ge3A_149 : i1 to i32
        %cond3A_151 = arith.constant 0 : i32
        %cond3A_152 = arith.cmpi ne, %convert_element_type3A_150, %cond3A_151 : i32
        scf.if %cond3A_152 {
          %dma_wait3A_169 = arith.constant 1 : i32
          %dma_wait3A_170 = arith.constant 1 : i32
          %dma_wait3A_171 = arith.constant 0 : i32
          %dma_wait3A_172 = arith.constant 0 : i32
          %dma_wait3A_173 = tpu.memref_slice %arg9[%dma_wait3A_169, %dma_wait3A_171, %dma_wait3A_172] : memref<2x256x64xf32, #tpu.memory_space<vmem>> -> memref<1x256x64xf32, #tpu.memory_space<vmem>>
          %dma_wait3A_174 = tpu.memref_squeeze %dma_wait3A_173 : memref<1x256x64xf32, #tpu.memory_space<vmem>> -> memref<256x64xf32, #tpu.memory_space<vmem>>
          %dma_wait3A_175 = arith.constant 0 : i32
          %dma_wait3A_176 = arith.constant 0 : i32
          %dma_wait3A_177 = tpu.memref_slice %arg10[%dma_wait3A_175, %dma_wait3A_176] : memref<10112x64xf32, #tpu.memory_space<vmem_shared>> -> memref<256x64xf32, #tpu.memory_space<vmem_shared>>
          %dma_wait3A_178 = tpu.memref_slice %arg12[%dma_wait3A_170] : memref<2x!tpu.dma_semaphore, #tpu.memory_space<semaphore_mem>> -> memref<1x!tpu.dma_semaphore, #tpu.memory_space<semaphore_mem>>
          %dma_wait3A_179 = tpu.memref_squeeze %dma_wait3A_178 : memref<1x!tpu.dma_semaphore, #tpu.memory_space<semaphore_mem>> -> memref<!tpu.dma_semaphore, #tpu.memory_space<semaphore_mem>>
          %dma_wait3A_180 = arith.constant 0 : i32
          %dma_wait3A_181 = arith.constant 0 : i32
          %dma_wait3A_182 = tpu.memref_slice %arg10[%dma_wait3A_180, %dma_wait3A_181] : memref<10112x64xf32, #tpu.memory_space<vmem_shared>> -> memref<256x64xf32, #tpu.memory_space<vmem_shared>>
          %dma_wait3A_183 = arith.constant 0 : i32
          %dma_wait3A_184 = arith.constant 0 : i32
          %dma_wait3A_185 = tpu.memref_slice %arg9[%dma_wait3A_169, %dma_wait3A_183, %dma_wait3A_184] : memref<2x256x64xf32, #tpu.memory_space<vmem>> -> memref<1x256x64xf32, #tpu.memory_space<vmem>>
          %dma_wait3A_186 = tpu.memref_squeeze %dma_wait3A_185 : memref<1x256x64xf32, #tpu.memory_space<vmem>> -> memref<256x64xf32, #tpu.memory_space<vmem>>
          tpu.wait_dma2 semaphore(%dma_wait3A_179 : memref<!tpu.dma_semaphore, #tpu.memory_space<semaphore_mem>>) src(%dma_wait3A_186 : memref<256x64xf32, #tpu.memory_space<vmem>>) dst(%dma_wait3A_182 : memref<256x64xf32, #tpu.memory_space<vmem_shared>>)
        } else {
        }
        %add3A_153 = arith.constant 1 : i32
        %add3A_154 = arith.addi %add3A_69, %add3A_153 : i32
        %dma_start3A_155 = arith.constant 1 : i32
        %dma_start3A_156 = arith.constant 1 : i32
        %dma_start3A_157 = arith.constant 0 : i32
        %dma_start3A_158 = arith.constant 0 : i32
        %dma_start3A_159 = tpu.memref_slice %arg9[%dma_start3A_155, %dma_start3A_157, %dma_start3A_158] : memref<2x256x64xf32, #tpu.memory_space<vmem>> -> memref<1x256x64xf32, #tpu.memory_space<vmem>>
        %dma_start3A_160 = tpu.memref_squeeze %dma_start3A_159 : memref<1x256x64xf32, #tpu.memory_space<vmem>> -> memref<256x64xf32, #tpu.memory_space<vmem>>
        %dma_start3A_161 = arith.constant 0 : i32
        %dma_start3A_162 = tpu.memref_slice %arg7[%add3A_154, %dma_start3A_161] : memref<40x256xi32, #tpu.memory_space<vmem>> -> memref<1x256xi32, #tpu.memory_space<vmem>>
        %dma_start3A_163 = tpu.memref_squeeze %dma_start3A_162 : memref<1x256xi32, #tpu.memory_space<vmem>> -> memref<256xi32, #tpu.memory_space<vmem>>
        %dma_start3A_164 = arith.constant 0 : i32
        %dma_start3A_165 = arith.constant 0 : i32
        %dma_start3A_166 = tpu.memref_slice %arg2[%dma_start3A_164, %dma_start3A_165] : memref<10000x64xf32, #tpu.memory_space<hbm>> -> memref<10000x64xf32, #tpu.memory_space<hbm>>
        %dma_start3A_167 = tpu.memref_slice %arg11[%dma_start3A_156] : memref<2x!tpu.dma_semaphore, #tpu.memory_space<semaphore_mem>> -> memref<1x!tpu.dma_semaphore, #tpu.memory_space<semaphore_mem>>
        %dma_start3A_168 = tpu.memref_squeeze %dma_start3A_167 : memref<1x!tpu.dma_semaphore, #tpu.memory_space<semaphore_mem>> -> memref<!tpu.dma_semaphore, #tpu.memory_space<semaphore_mem>>
        tpu.enqueue_indirect_dma source(%dma_start3A_166 : memref<10000x64xf32, #tpu.memory_space<hbm>>) target(%dma_start3A_160 : memref<256x64xf32, #tpu.memory_space<vmem>>) offsets(%dma_start3A_163 : memref<256xi32, #tpu.memory_space<vmem>>) semaphore(%dma_start3A_168 : memref<!tpu.dma_semaphore, #tpu.memory_space<semaphore_mem>>)
      } else {
      }
      %dma_wait3A_74 = arith.constant 0 : i32
      %dma_wait3A_75 = arith.constant 0 : i32
      %dma_wait3A_76 = arith.constant 0 : i32
      %dma_wait3A_77 = arith.constant 0 : i32
      %dma_wait3A_78 = tpu.memref_slice %arg9[%dma_wait3A_74, %dma_wait3A_76, %dma_wait3A_77] : memref<2x256x64xf32, #tpu.memory_space<vmem>> -> memref<1x256x64xf32, #tpu.memory_space<vmem>>
      %dma_wait3A_79 = tpu.memref_squeeze %dma_wait3A_78 : memref<1x256x64xf32, #tpu.memory_space<vmem>> -> memref<256x64xf32, #tpu.memory_space<vmem>>
      %dma_wait3A_80 = arith.constant 0 : i32
      %dma_wait3A_81 = arith.constant 0 : i32
      %dma_wait3A_82 = tpu.memref_slice %arg2[%dma_wait3A_80, %dma_wait3A_81] : memref<10000x64xf32, #tpu.memory_space<hbm>> -> memref<256x64xf32, #tpu.memory_space<hbm>>
      %dma_wait3A_83 = tpu.memref_slice %arg11[%dma_wait3A_75] : memref<2x!tpu.dma_semaphore, #tpu.memory_space<semaphore_mem>> -> memref<1x!tpu.dma_semaphore, #tpu.memory_space<semaphore_mem>>
      %dma_wait3A_84 = tpu.memref_squeeze %dma_wait3A_83 : memref<1x!tpu.dma_semaphore, #tpu.memory_space<semaphore_mem>> -> memref<!tpu.dma_semaphore, #tpu.memory_space<semaphore_mem>>
      %dma_wait3A_85 = arith.constant 0 : i32
      %dma_wait3A_86 = arith.constant 0 : i32
      %dma_wait3A_87 = tpu.memref_slice %arg9[%dma_wait3A_74, %dma_wait3A_85, %dma_wait3A_86] : memref<2x256x64xf32, #tpu.memory_space<vmem>> -> memref<1x256x64xf32, #tpu.memory_space<vmem>>
      %dma_wait3A_88 = tpu.memref_squeeze %dma_wait3A_87 : memref<1x256x64xf32, #tpu.memory_space<vmem>> -> memref<256x64xf32, #tpu.memory_space<vmem>>
      %dma_wait3A_89 = arith.constant 0 : i32
      %dma_wait3A_90 = arith.constant 0 : i32
      %dma_wait3A_91 = tpu.memref_slice %arg2[%dma_wait3A_89, %dma_wait3A_90] : memref<10000x64xf32, #tpu.memory_space<hbm>> -> memref<256x64xf32, #tpu.memory_space<hbm>>
      tpu.wait_dma2 semaphore(%dma_wait3A_84 : memref<!tpu.dma_semaphore, #tpu.memory_space<semaphore_mem>>) src(%dma_wait3A_91 : memref<256x64xf32, #tpu.memory_space<hbm>>) dst(%dma_wait3A_88 : memref<256x64xf32, #tpu.memory_space<vmem>>)
      %dma_start3A_92 = arith.constant 0 : i32
      %dma_start3A_93 = arith.constant 0 : i32
      %dma_start3A_94 = arith.constant 0 : i32
      %dma_start3A_95 = arith.constant 0 : i32
      %dma_start3A_96 = tpu.memref_slice %arg9[%dma_start3A_92, %dma_start3A_94, %dma_start3A_95] : memref<2x256x64xf32, #tpu.memory_space<vmem>> -> memref<1x256x64xf32, #tpu.memory_space<vmem>>
      %dma_start3A_97 = tpu.memref_squeeze %dma_start3A_96 : memref<1x256x64xf32, #tpu.memory_space<vmem>> -> memref<256x64xf32, #tpu.memory_space<vmem>>
      %dma_start3A_98 = arith.constant 0 : i32
      %dma_start3A_99 = tpu.memref_slice %arg8[%add3A_69, %dma_start3A_98] : memref<40x256xi32, #tpu.memory_space<vmem>> -> memref<1x256xi32, #tpu.memory_space<vmem>>
      %dma_start3A_100 = tpu.memref_squeeze %dma_start3A_99 : memref<1x256xi32, #tpu.memory_space<vmem>> -> memref<256xi32, #tpu.memory_space<vmem>>
      %dma_start3A_101 = arith.constant 0 : i32
      %dma_start3A_102 = arith.constant 0 : i32
      %dma_start3A_103 = tpu.memref_slice %arg10[%dma_start3A_101, %dma_start3A_102] : memref<10112x64xf32, #tpu.memory_space<vmem_shared>> -> memref<10112x64xf32, #tpu.memory_space<vmem_shared>>
      %dma_start3A_104 = tpu.memref_slice %arg12[%dma_start3A_93] : memref<2x!tpu.dma_semaphore, #tpu.memory_space<semaphore_mem>> -> memref<1x!tpu.dma_semaphore, #tpu.memory_space<semaphore_mem>>
      %dma_start3A_105 = tpu.memref_squeeze %dma_start3A_104 : memref<1x!tpu.dma_semaphore, #tpu.memory_space<semaphore_mem>> -> memref<!tpu.dma_semaphore, #tpu.memory_space<semaphore_mem>>
      tpu.enqueue_indirect_dma source(%dma_start3A_97 : memref<256x64xf32, #tpu.memory_space<vmem>>) target(%dma_start3A_103 : memref<10112x64xf32, #tpu.memory_space<vmem_shared>>) offsets(%dma_start3A_100 : memref<256xi32, #tpu.memory_space<vmem>>) semaphore(%dma_start3A_105 : memref<!tpu.dma_semaphore, #tpu.memory_space<semaphore_mem>>) {add = true}
      %add3A_106 = arith.constant 1 : i32
      %add3A_107 = arith.addi %add3A_67, %add3A_106 : i32
      %add3A_108 = arith.constant 1 : i32
      %add3A_109 = arith.addi %add3A_107, %add3A_108 : i32
      %lt3A_110 = arith.constant 40 : i32
      %lt3A_111 = arith.cmpi slt, %add3A_109, %lt3A_110 : i32
      %convert_element_type3A_112 = arith.extui %lt3A_111 : i1 to i32
      %cond3A_113 = arith.constant 0 : i32
      %cond3A_114 = arith.cmpi ne, %convert_element_type3A_112, %cond3A_113 : i32
      scf.if %cond3A_114 {
        %add3A_147 = arith.constant 1 : i32
        %add3A_148 = arith.addi %add3A_107, %add3A_147 : i32
        %ge3A = arith.constant 2 : i32
        %ge3A_149 = arith.cmpi sge, %add3A_148, %ge3A : i32
        %convert_element_type3A_150 = arith.extui %ge3A_149 : i1 to i32
        %cond3A_151 = arith.constant 0 : i32
        %cond3A_152 = arith.cmpi ne, %convert_element_type3A_150, %cond3A_151 : i32
        scf.if %cond3A_152 {
          %dma_wait3A_169 = arith.constant 0 : i32
          %dma_wait3A_170 = arith.constant 0 : i32
          %dma_wait3A_171 = arith.constant 0 : i32
          %dma_wait3A_172 = arith.constant 0 : i32
          %dma_wait3A_173 = tpu.memref_slice %arg9[%dma_wait3A_169, %dma_wait3A_171, %dma_wait3A_172] : memref<2x256x64xf32, #tpu.memory_space<vmem>> -> memref<1x256x64xf32, #tpu.memory_space<vmem>>
          %dma_wait3A_174 = tpu.memref_squeeze %dma_wait3A_173 : memref<1x256x64xf32, #tpu.memory_space<vmem>> -> memref<256x64xf32, #tpu.memory_space<vmem>>
          %dma_wait3A_175 = arith.constant 0 : i32
          %dma_wait3A_176 = arith.constant 0 : i32
          %dma_wait3A_177 = tpu.memref_slice %arg10[%dma_wait3A_175, %dma_wait3A_176] : memref<10112x64xf32, #tpu.memory_space<vmem_shared>> -> memref<256x64xf32, #tpu.memory_space<vmem_shared>>
          %dma_wait3A_178 = tpu.memref_slice %arg12[%dma_wait3A_170] : memref<2x!tpu.dma_semaphore, #tpu.memory_space<semaphore_mem>> -> memref<1x!tpu.dma_semaphore, #tpu.memory_space<semaphore_mem>>
          %dma_wait3A_179 = tpu.memref_squeeze %dma_wait3A_178 : memref<1x!tpu.dma_semaphore, #tpu.memory_space<semaphore_mem>> -> memref<!tpu.dma_semaphore, #tpu.memory_space<semaphore_mem>>
          %dma_wait3A_180 = arith.constant 0 : i32
          %dma_wait3A_181 = arith.constant 0 : i32
          %dma_wait3A_182 = tpu.memref_slice %arg10[%dma_wait3A_180, %dma_wait3A_181] : memref<10112x64xf32, #tpu.memory_space<vmem_shared>> -> memref<256x64xf32, #tpu.memory_space<vmem_shared>>
          %dma_wait3A_183 = arith.constant 0 : i32
          %dma_wait3A_184 = arith.constant 0 : i32
          %dma_wait3A_185 = tpu.memref_slice %arg9[%dma_wait3A_169, %dma_wait3A_183, %dma_wait3A_184] : memref<2x256x64xf32, #tpu.memory_space<vmem>> -> memref<1x256x64xf32, #tpu.memory_space<vmem>>
          %dma_wait3A_186 = tpu.memref_squeeze %dma_wait3A_185 : memref<1x256x64xf32, #tpu.memory_space<vmem>> -> memref<256x64xf32, #tpu.memory_space<vmem>>
          tpu.wait_dma2 semaphore(%dma_wait3A_179 : memref<!tpu.dma_semaphore, #tpu.memory_space<semaphore_mem>>) src(%dma_wait3A_186 : memref<256x64xf32, #tpu.memory_space<vmem>>) dst(%dma_wait3A_182 : memref<256x64xf32, #tpu.memory_space<vmem_shared>>)
        } else {
        }
        %add3A_153 = arith.constant 1 : i32
        %add3A_154 = arith.addi %add3A_107, %add3A_153 : i32
        %dma_start3A_155 = arith.constant 0 : i32
        %dma_start3A_156 = arith.constant 0 : i32
        %dma_start3A_157 = arith.constant 0 : i32
        %dma_start3A_158 = arith.constant 0 : i32
        %dma_start3A_159 = tpu.memref_slice %arg9[%dma_start3A_155, %dma_start3A_157, %dma_start3A_158] : memref<2x256x64xf32, #tpu.memory_space<vmem>> -> memref<1x256x64xf32, #tpu.memory_space<vmem>>
        %dma_start3A_160 = tpu.memref_squeeze %dma_start3A_159 : memref<1x256x64xf32, #tpu.memory_space<vmem>> -> memref<256x64xf32, #tpu.memory_space<vmem>>
        %dma_start3A_161 = arith.constant 0 : i32
        %dma_start3A_162 = tpu.memref_slice %arg7[%add3A_154, %dma_start3A_161] : memref<40x256xi32, #tpu.memory_space<vmem>> -> memref<1x256xi32, #tpu.memory_space<vmem>>
        %dma_start3A_163 = tpu.memref_squeeze %dma_start3A_162 : memref<1x256xi32, #tpu.memory_space<vmem>> -> memref<256xi32, #tpu.memory_space<vmem>>
        %dma_start3A_164 = arith.constant 0 : i32
        %dma_start3A_165 = arith.constant 0 : i32
        %dma_start3A_166 = tpu.memref_slice %arg2[%dma_start3A_164, %dma_start3A_165] : memref<10000x64xf32, #tpu.memory_space<hbm>> -> memref<10000x64xf32, #tpu.memory_space<hbm>>
        %dma_start3A_167 = tpu.memref_slice %arg11[%dma_start3A_156] : memref<2x!tpu.dma_semaphore, #tpu.memory_space<semaphore_mem>> -> memref<1x!tpu.dma_semaphore, #tpu.memory_space<semaphore_mem>>
        %dma_start3A_168 = tpu.memref_squeeze %dma_start3A_167 : memref<1x!tpu.dma_semaphore, #tpu.memory_space<semaphore_mem>> -> memref<!tpu.dma_semaphore, #tpu.memory_space<semaphore_mem>>
        tpu.enqueue_indirect_dma source(%dma_start3A_166 : memref<10000x64xf32, #tpu.memory_space<hbm>>) target(%dma_start3A_160 : memref<256x64xf32, #tpu.memory_space<vmem>>) offsets(%dma_start3A_163 : memref<256xi32, #tpu.memory_space<vmem>>) semaphore(%dma_start3A_168 : memref<!tpu.dma_semaphore, #tpu.memory_space<semaphore_mem>>)
      } else {
      }
      %dma_wait3A_115 = arith.constant 1 : i32
      %dma_wait3A_116 = arith.constant 1 : i32
      %dma_wait3A_117 = arith.constant 0 : i32
      %dma_wait3A_118 = arith.constant 0 : i32
      %dma_wait3A_119 = tpu.memref_slice %arg9[%dma_wait3A_115, %dma_wait3A_117, %dma_wait3A_118] : memref<2x256x64xf32, #tpu.memory_space<vmem>> -> memref<1x256x64xf32, #tpu.memory_space<vmem>>
      %dma_wait3A_120 = tpu.memref_squeeze %dma_wait3A_119 : memref<1x256x64xf32, #tpu.memory_space<vmem>> -> memref<256x64xf32, #tpu.memory_space<vmem>>
      %dma_wait3A_121 = arith.constant 0 : i32
      %dma_wait3A_122 = arith.constant 0 : i32
      %dma_wait3A_123 = tpu.memref_slice %arg2[%dma_wait3A_121, %dma_wait3A_122] : memref<10000x64xf32, #tpu.memory_space<hbm>> -> memref<256x64xf32, #tpu.memory_space<hbm>>
      %dma_wait3A_124 = tpu.memref_slice %arg11[%dma_wait3A_116] : memref<2x!tpu.dma_semaphore, #tpu.memory_space<semaphore_mem>> -> memref<1x!tpu.dma_semaphore, #tpu.memory_space<semaphore_mem>>
      %dma_wait3A_125 = tpu.memref_squeeze %dma_wait3A_124 : memref<1x!tpu.dma_semaphore, #tpu.memory_space<semaphore_mem>> -> memref<!tpu.dma_semaphore, #tpu.memory_space<semaphore_mem>>
      %dma_wait3A_126 = arith.constant 0 : i32
      %dma_wait3A_127 = arith.constant 0 : i32
      %dma_wait3A_128 = tpu.memref_slice %arg9[%dma_wait3A_115, %dma_wait3A_126, %dma_wait3A_127] : memref<2x256x64xf32, #tpu.memory_space<vmem>> -> memref<1x256x64xf32, #tpu.memory_space<vmem>>
      %dma_wait3A_129 = tpu.memref_squeeze %dma_wait3A_128 : memref<1x256x64xf32, #tpu.memory_space<vmem>> -> memref<256x64xf32, #tpu.memory_space<vmem>>
      %dma_wait3A_130 = arith.constant 0 : i32
      %dma_wait3A_131 = arith.constant 0 : i32
      %dma_wait3A_132 = tpu.memref_slice %arg2[%dma_wait3A_130, %dma_wait3A_131] : memref<10000x64xf32, #tpu.memory_space<hbm>> -> memref<256x64xf32, #tpu.memory_space<hbm>>
      tpu.wait_dma2 semaphore(%dma_wait3A_125 : memref<!tpu.dma_semaphore, #tpu.memory_space<semaphore_mem>>) src(%dma_wait3A_132 : memref<256x64xf32, #tpu.memory_space<hbm>>) dst(%dma_wait3A_129 : memref<256x64xf32, #tpu.memory_space<vmem>>)
      %dma_start3A_133 = arith.constant 1 : i32
      %dma_start3A_134 = arith.constant 1 : i32
      %dma_start3A_135 = arith.constant 0 : i32
      %dma_start3A_136 = arith.constant 0 : i32
      %dma_start3A_137 = tpu.memref_slice %arg9[%dma_start3A_133, %dma_start3A_135, %dma_start3A_136] : memref<2x256x64xf32, #tpu.memory_space<vmem>> -> memref<1x256x64xf32, #tpu.memory_space<vmem>>
      %dma_start3A_138 = tpu.memref_squeeze %dma_start3A_137 : memref<1x256x64xf32, #tpu.memory_space<vmem>> -> memref<256x64xf32, #tpu.memory_space<vmem>>
      %dma_start3A_139 = arith.constant 0 : i32
      %dma_start3A_140 = tpu.memref_slice %arg8[%add3A_107, %dma_start3A_139] : memref<40x256xi32, #tpu.memory_space<vmem>> -> memref<1x256xi32, #tpu.memory_space<vmem>>
      %dma_start3A_141 = tpu.memref_squeeze %dma_start3A_140 : memref<1x256xi32, #tpu.memory_space<vmem>> -> memref<256xi32, #tpu.memory_space<vmem>>
      %dma_start3A_142 = arith.constant 0 : i32
      %dma_start3A_143 = arith.constant 0 : i32
      %dma_start3A_144 = tpu.memref_slice %arg10[%dma_start3A_142, %dma_start3A_143] : memref<10112x64xf32, #tpu.memory_space<vmem_shared>> -> memref<10112x64xf32, #tpu.memory_space<vmem_shared>>
      %dma_start3A_145 = tpu.memref_slice %arg12[%dma_start3A_134] : memref<2x!tpu.dma_semaphore, #tpu.memory_space<semaphore_mem>> -> memref<1x!tpu.dma_semaphore, #tpu.memory_space<semaphore_mem>>
      %dma_start3A_146 = tpu.memref_squeeze %dma_start3A_145 : memref<1x!tpu.dma_semaphore, #tpu.memory_space<semaphore_mem>> -> memref<!tpu.dma_semaphore, #tpu.memory_space<semaphore_mem>>
      tpu.enqueue_indirect_dma source(%dma_start3A_138 : memref<256x64xf32, #tpu.memory_space<vmem>>) target(%dma_start3A_144 : memref<10112x64xf32, #tpu.memory_space<vmem_shared>>) offsets(%dma_start3A_141 : memref<256xi32, #tpu.memory_space<vmem>>) semaphore(%dma_start3A_146 : memref<!tpu.dma_semaphore, #tpu.memory_space<semaphore_mem>>) {add = true}
    }
    %scan3A_22 = arith.constant 20 : i32
    %dma_wait3A = arith.constant 0 : i32
    %dma_wait3A_23 = arith.constant 0 : i32
    %dma_wait3A_24 = arith.constant 0 : i32
    %dma_wait3A_25 = arith.constant 0 : i32
    %dma_wait3A_26 = tpu.memref_slice %arg9[%dma_wait3A, %dma_wait3A_24, %dma_wait3A_25] : memref<2x256x64xf32, #tpu.memory_space<vmem>> -> memref<1x256x64xf32, #tpu.memory_space<vmem>>
    %dma_wait3A_27 = tpu.memref_squeeze %dma_wait3A_26 : memref<1x256x64xf32, #tpu.memory_space<vmem>> -> memref<256x64xf32, #tpu.memory_space<vmem>>
    %dma_wait3A_28 = arith.constant 0 : i32
    %dma_wait3A_29 = arith.constant 0 : i32
    %dma_wait3A_30 = tpu.memref_slice %arg10[%dma_wait3A_28, %dma_wait3A_29] : memref<10112x64xf32, #tpu.memory_space<vmem_shared>> -> memref<256x64xf32, #tpu.memory_space<vmem_shared>>
    %dma_wait3A_31 = tpu.memref_slice %arg12[%dma_wait3A_23] : memref<2x!tpu.dma_semaphore, #tpu.memory_space<semaphore_mem>> -> memref<1x!tpu.dma_semaphore, #tpu.memory_space<semaphore_mem>>
    %dma_wait3A_32 = tpu.memref_squeeze %dma_wait3A_31 : memref<1x!tpu.dma_semaphore, #tpu.memory_space<semaphore_mem>> -> memref<!tpu.dma_semaphore, #tpu.memory_space<semaphore_mem>>
    %dma_wait3A_33 = arith.constant 0 : i32
    %dma_wait3A_34 = arith.constant 0 : i32
    %dma_wait3A_35 = tpu.memref_slice %arg10[%dma_wait3A_33, %dma_wait3A_34] : memref<10112x64xf32, #tpu.memory_space<vmem_shared>> -> memref<256x64xf32, #tpu.memory_space<vmem_shared>>
    %dma_wait3A_36 = arith.constant 0 : i32
    %dma_wait3A_37 = arith.constant 0 : i32
    %dma_wait3A_38 = tpu.memref_slice %arg9[%dma_wait3A, %dma_wait3A_36, %dma_wait3A_37] : memref<2x256x64xf32, #tpu.memory_space<vmem>> -> memref<1x256x64xf32, #tpu.memory_space<vmem>>
    %dma_wait3A_39 = tpu.memref_squeeze %dma_wait3A_38 : memref<1x256x64xf32, #tpu.memory_space<vmem>> -> memref<256x64xf32, #tpu.memory_space<vmem>>
    tpu.wait_dma2 semaphore(%dma_wait3A_32 : memref<!tpu.dma_semaphore, #tpu.memory_space<semaphore_mem>>) src(%dma_wait3A_39 : memref<256x64xf32, #tpu.memory_space<vmem>>) dst(%dma_wait3A_35 : memref<256x64xf32, #tpu.memory_space<vmem_shared>>)
    %dma_wait3A_40 = arith.constant 1 : i32
    %dma_wait3A_41 = arith.constant 1 : i32
    %dma_wait3A_42 = arith.constant 0 : i32
    %dma_wait3A_43 = arith.constant 0 : i32
    %dma_wait3A_44 = tpu.memref_slice %arg9[%dma_wait3A_40, %dma_wait3A_42, %dma_wait3A_43] : memref<2x256x64xf32, #tpu.memory_space<vmem>> -> memref<1x256x64xf32, #tpu.memory_space<vmem>>
    %dma_wait3A_45 = tpu.memref_squeeze %dma_wait3A_44 : memref<1x256x64xf32, #tpu.memory_space<vmem>> -> memref<256x64xf32, #tpu.memory_space<vmem>>
    %dma_wait3A_46 = arith.constant 0 : i32
    %dma_wait3A_47 = arith.constant 0 : i32
    %dma_wait3A_48 = tpu.memref_slice %arg10[%dma_wait3A_46, %dma_wait3A_47] : memref<10112x64xf32, #tpu.memory_space<vmem_shared>> -> memref<256x64xf32, #tpu.memory_space<vmem_shared>>
    %dma_wait3A_49 = tpu.memref_slice %arg12[%dma_wait3A_41] : memref<2x!tpu.dma_semaphore, #tpu.memory_space<semaphore_mem>> -> memref<1x!tpu.dma_semaphore, #tpu.memory_space<semaphore_mem>>
    %dma_wait3A_50 = tpu.memref_squeeze %dma_wait3A_49 : memref<1x!tpu.dma_semaphore, #tpu.memory_space<semaphore_mem>> -> memref<!tpu.dma_semaphore, #tpu.memory_space<semaphore_mem>>
    %dma_wait3A_51 = arith.constant 0 : i32
    %dma_wait3A_52 = arith.constant 0 : i32
    %dma_wait3A_53 = tpu.memref_slice %arg10[%dma_wait3A_51, %dma_wait3A_52] : memref<10112x64xf32, #tpu.memory_space<vmem_shared>> -> memref<256x64xf32, #tpu.memory_space<vmem_shared>>
    %dma_wait3A_54 = arith.constant 0 : i32
    %dma_wait3A_55 = arith.constant 0 : i32
    %dma_wait3A_56 = tpu.memref_slice %arg9[%dma_wait3A_40, %dma_wait3A_54, %dma_wait3A_55] : memref<2x256x64xf32, #tpu.memory_space<vmem>> -> memref<1x256x64xf32, #tpu.memory_space<vmem>>
    %dma_wait3A_57 = tpu.memref_squeeze %dma_wait3A_56 : memref<1x256x64xf32, #tpu.memory_space<vmem>> -> memref<256x64xf32, #tpu.memory_space<vmem>>
    tpu.wait_dma2 semaphore(%dma_wait3A_50 : memref<!tpu.dma_semaphore, #tpu.memory_space<semaphore_mem>>) src(%dma_wait3A_57 : memref<256x64xf32, #tpu.memory_space<vmem>>) dst(%dma_wait3A_53 : memref<256x64xf32, #tpu.memory_space<vmem_shared>>)
    "tpu.trace_stop"() : () -> ()
    "tpu.trace_start"() <{level = 10 : i32, message = "sc_epilogue"}> : () -> ()
    %barrier3A_58 = arith.constant 0 : index
    tpu.barrier barrier_id(%barrier3A_58)
    %mul3A_59 = arith.constant 632 : i32
    %mul3A_60 = arith.muli %arg1, %mul3A_59 : i32
    %mul3A_61 = arith.constant 632 : i32
    %mul3A_62 = arith.muli %arg1, %mul3A_61 : i32
    "tpu.region"() ({
      %run_scoped3A = tpu.sem_alloc : memref<!tpu.dma_semaphore, #tpu.memory_space<semaphore_mem>>
      %dma_start3A_63 = arith.constant 0 : i32
      %dma_start3A_64 = tpu.memref_slice %arg6[%arg0, %mul3A_62, %dma_start3A_63] : memref<2x10112x64xf32, #tpu.memory_space<hbm>> -> memref<1x632x64xf32, #tpu.memory_space<hbm>>
      %dma_start3A_65 = tpu.memref_squeeze %dma_start3A_64 : memref<1x632x64xf32, #tpu.memory_space<hbm>> -> memref<632x64xf32, #tpu.memory_space<hbm>>
      %dma_start3A_66 = arith.constant 0 : i32
      %dma_start3A_67 = tpu.memref_slice %arg10[%mul3A_60, %dma_start3A_66] : memref<10112x64xf32, #tpu.memory_space<vmem_shared>> -> memref<632x64xf32, #tpu.memory_space<vmem_shared>>
      tpu.enqueue_dma source(%dma_start3A_67 : memref<632x64xf32, #tpu.memory_space<vmem_shared>>) target(%dma_start3A_65 : memref<632x64xf32, #tpu.memory_space<hbm>>) target_semaphore(%run_scoped3A : memref<!tpu.dma_semaphore, #tpu.memory_space<semaphore_mem>>)
      %dma_wait3A_68 = arith.constant 0 : i32
      %dma_wait3A_69 = tpu.memref_slice %arg6[%arg0, %mul3A_62, %dma_wait3A_68] : memref<2x10112x64xf32, #tpu.memory_space<hbm>> -> memref<1x632x64xf32, #tpu.memory_space<hbm>>
      %dma_wait3A_70 = tpu.memref_squeeze %dma_wait3A_69 : memref<1x632x64xf32, #tpu.memory_space<hbm>> -> memref<632x64xf32, #tpu.memory_space<hbm>>
      %dma_wait3A_71 = arith.constant 0 : i32
      %dma_wait3A_72 = tpu.memref_slice %arg10[%mul3A_60, %dma_wait3A_71] : memref<10112x64xf32, #tpu.memory_space<vmem_shared>> -> memref<632x64xf32, #tpu.memory_space<vmem_shared>>
      tpu.wait_dma2 semaphore(%run_scoped3A : memref<!tpu.dma_semaphore, #tpu.memory_space<semaphore_mem>>) src(%dma_wait3A_72 : memref<632x64xf32, #tpu.memory_space<vmem_shared>>) dst(%dma_wait3A_70 : memref<632x64xf32, #tpu.memory_space<hbm>>)
      tpu.yield
    }) : () -> ()
    "tpu.trace_stop"() : () -> ()
    return
  }
}

module attributes {stable_mosaic.version = 14 : i64} {
  func.func @_mm_body(%arg0: memref<10000x128xf32, #tpu.memory_space<vmem>>, %arg1: memref<128x64xf32, #tpu.memory_space<vmem>>, %arg2: memref<10000x64xf32, #tpu.memory_space<vmem>>) attributes {dimension_semantics = [], scalar_prefetch = 0 : i64, scratch_operands = 0 : i64, tpu.core_type = #tpu.core_type<tc>} {
    %get3A = arith.constant 0 : index
    %get3A_0 = arith.constant 0 : index
    %get3A_1 = vector.load %arg0[%get3A, %get3A_0] : memref<10000x128xf32, #tpu.memory_space<vmem>>, vector<10000x128xf32>
    %get3A_2 = arith.constant 0 : index
    %get3A_3 = arith.constant 0 : index
    %get3A_4 = vector.load %arg1[%get3A_2, %get3A_3] : memref<128x64xf32, #tpu.memory_space<vmem>>, vector<128x64xf32>
    %dot_general3A = arith.constant dense<0.000000e+00> : vector<10000x64xf32>
    %dot_general3A_5 = tpu.matmul %get3A_1, %get3A_4, %dot_general3A {dimension_numbers = #tpu.dot_dimension_numbers<[1], [0], [0], [1], [0, 0, 1, 1], [], []>, transpose_lhs_hint = false} : vector<10000x128xf32>, vector<128x64xf32>, vector<10000x64xf32> -> vector<10000x64xf32>
    %swap3A = arith.constant 0 : index
    %swap3A_6 = arith.constant 0 : index
    %swap3A_7 = vector.load %arg2[%swap3A, %swap3A_6] : memref<10000x64xf32, #tpu.memory_space<vmem>>, vector<10000x64xf32>
    tpu.vector_store %arg2[%swap3A, %swap3A_6], %dot_general3A_5 {strides = array<i32>} : memref<10000x64xf32, #tpu.memory_space<vmem>>, vector<10000x64xf32>,
    return
  }
}

module attributes {stable_mosaic.version = 14 : i64} {
  func.func @_mid_body(%arg0: memref<10000x64xf32, #tpu.memory_space<vmem>>, %arg1: memref<2x10112x64xf32, #tpu.memory_space<vmem>>, %arg2: memref<1x64xf32, #tpu.memory_space<vmem>>, %arg3: memref<1x64xf32, #tpu.memory_space<vmem>>, %arg4: memref<1x64xf32, #tpu.memory_space<vmem>>, %arg5: memref<64x64xf32, #tpu.memory_space<vmem>>, %arg6: memref<1x64xf32, #tpu.memory_space<vmem>>, %arg7: memref<64x64xf32, #tpu.memory_space<vmem>>, %arg8: memref<10000x64xf32, #tpu.memory_space<vmem>>) attributes {dimension_semantics = [], scalar_prefetch = 0 : i64, scratch_operands = 0 : i64, tpu.core_type = #tpu.core_type<tc>} {
    %get3A = arith.constant 0 : index
    %get3A_0 = arith.constant 0 : index
    %get3A_1 = vector.load %arg0[%get3A, %get3A_0] : memref<10000x64xf32, #tpu.memory_space<vmem>>, vector<10000x64xf32>
    %get3A_2 = arith.constant 0 : index
    %get3A_3 = arith.constant 0 : index
    %get3A_4 = vector.load %arg2[%get3A_2, %get3A_3] : memref<1x64xf32, #tpu.memory_space<vmem>>, vector<1x64xf32>
    %add3A = vector.broadcast %get3A_4 : vector<1x64xf32> to vector<10000x64xf32>
    %add3A_5 = arith.addf %get3A_1, %add3A : vector<10000x64xf32>
    %get3A_6 = arith.constant 0 : index
    %get3A_7 = arith.constant 0 : index
    %get3A_8 = arith.constant 0 : index
    %get3A_9 = vector.load %arg1[%get3A_6, %get3A_7, %get3A_8] : memref<2x10112x64xf32, #tpu.memory_space<vmem>>, vector<1x10000x64xf32>
    %get3A_10 = vector.shape_cast %get3A_9 : vector<1x10000x64xf32> to vector<10000x64xf32>
    %add3A_11 = arith.addf %add3A_5, %get3A_10 : vector<10000x64xf32>
    %get3A_12 = arith.constant 1 : index
    %get3A_13 = arith.constant 0 : index
    %get3A_14 = arith.constant 0 : index
    %get3A_15 = vector.load %arg1[%get3A_12, %get3A_13, %get3A_14] : memref<2x10112x64xf32, #tpu.memory_space<vmem>>, vector<1x10000x64xf32>
    %get3A_16 = vector.shape_cast %get3A_15 : vector<1x10000x64xf32> to vector<10000x64xf32>
    %add3A_17 = arith.addf %add3A_11, %get3A_16 : vector<10000x64xf32>
    %reduce_sum3A = arith.constant dense<0.000000e+00> : vector<64xf32>
    %reduce_sum3A_18 = vector.multi_reduction <add>, %add3A_17, %reduce_sum3A [0] : vector<10000x64xf32> to vector<64xf32>
    %broadcast_in_dim3A = vector.shape_cast %reduce_sum3A_18 : vector<64xf32> to vector<1x64xf32>
    %div3A = arith.constant 1.000000e+04 : f32
    %div3A_19 = vector.broadcast %div3A : f32 to vector<1x64xf32>
    %div3A_20 = arith.divf %broadcast_in_dim3A, %div3A_19 : vector<1x64xf32>
    %sub3A = vector.broadcast %div3A_20 : vector<1x64xf32> to vector<10000x64xf32>
    %sub3A_21 = arith.subf %add3A_17, %sub3A : vector<10000x64xf32>
    %mul3A = arith.mulf %sub3A_21, %sub3A_21 : vector<10000x64xf32>
    %reduce_sum3A_22 = arith.constant dense<0.000000e+00> : vector<64xf32>
    %reduce_sum3A_23 = vector.multi_reduction <add>, %mul3A, %reduce_sum3A_22 [0] : vector<10000x64xf32> to vector<64xf32>
    %broadcast_in_dim3A_24 = vector.shape_cast %reduce_sum3A_23 : vector<64xf32> to vector<1x64xf32>
    %div3A_25 = arith.constant 1.000000e+04 : f32
    %div3A_26 = vector.broadcast %div3A_25 : f32 to vector<1x64xf32>
    %div3A_27 = arith.divf %broadcast_in_dim3A_24, %div3A_26 : vector<1x64xf32>
    %get3A_28 = arith.constant 0 : index
    %get3A_29 = arith.constant 0 : index
    %get3A_30 = vector.load %arg3[%get3A_28, %get3A_29] : memref<1x64xf32, #tpu.memory_space<vmem>>, vector<1x64xf32>
    %mul3A_31 = vector.broadcast %get3A_30 : vector<1x64xf32> to vector<10000x64xf32>
    %mul3A_32 = arith.mulf %mul3A_31, %sub3A_21 : vector<10000x64xf32>
    %add3A_33 = arith.constant 9.99999974E-6 : f32
    %add3A_34 = vector.broadcast %add3A_33 : f32 to vector<1x64xf32>
    %add3A_35 = arith.addf %div3A_27, %add3A_34 : vector<1x64xf32>
    %sqrt3A = math.sqrt %add3A_35 : vector<1x64xf32>
    %div3A_36 = vector.broadcast %sqrt3A : vector<1x64xf32> to vector<10000x64xf32>
    %div3A_37 = arith.divf %mul3A_32, %div3A_36 : vector<10000x64xf32>
    %get3A_38 = arith.constant 0 : index
    %get3A_39 = arith.constant 0 : index
    %get3A_40 = vector.load %arg4[%get3A_38, %get3A_39] : memref<1x64xf32, #tpu.memory_space<vmem>>, vector<1x64xf32>
    %add3A_41 = vector.broadcast %get3A_40 : vector<1x64xf32> to vector<10000x64xf32>
    %add3A_42 = arith.addf %div3A_37, %add3A_41 : vector<10000x64xf32>
    %max3A = arith.constant 0.000000e+00 : f32
    %max3A_43 = vector.broadcast %max3A : f32 to vector<10000x64xf32>
    %max3A_44 = arith.maximumf %add3A_42, %max3A_43 : vector<10000x64xf32>
    %get3A_45 = arith.constant 0 : index
    %get3A_46 = arith.constant 0 : index
    %get3A_47 = vector.load %arg5[%get3A_45, %get3A_46] : memref<64x64xf32, #tpu.memory_space<vmem>>, vector<64x64xf32>
    %dot_general3A = arith.constant dense<0.000000e+00> : vector<10000x64xf32>
    %dot_general3A_48 = tpu.matmul %max3A_44, %get3A_47, %dot_general3A {dimension_numbers = #tpu.dot_dimension_numbers<[1], [0], [0], [1], [0, 0, 1, 1], [], []>, transpose_lhs_hint = false} : vector<10000x64xf32>, vector<64x64xf32>, vector<10000x64xf32> -> vector<10000x64xf32>
    %get3A_49 = arith.constant 0 : index
    %get3A_50 = arith.constant 0 : index
    %get3A_51 = vector.load %arg6[%get3A_49, %get3A_50] : memref<1x64xf32, #tpu.memory_space<vmem>>, vector<1x64xf32>
    %add3A_52 = vector.broadcast %get3A_51 : vector<1x64xf32> to vector<10000x64xf32>
    %add3A_53 = arith.addf %dot_general3A_48, %add3A_52 : vector<10000x64xf32>
    %max3A_54 = arith.constant 0.000000e+00 : f32
    %max3A_55 = vector.broadcast %max3A_54 : f32 to vector<10000x64xf32>
    %max3A_56 = arith.maximumf %add3A_53, %max3A_55 : vector<10000x64xf32>
    %get3A_57 = arith.constant 0 : index
    %get3A_58 = arith.constant 0 : index
    %get3A_59 = vector.load %arg7[%get3A_57, %get3A_58] : memref<64x64xf32, #tpu.memory_space<vmem>>, vector<64x64xf32>
    %dot_general3A_60 = arith.constant dense<0.000000e+00> : vector<10000x64xf32>
    %dot_general3A_61 = tpu.matmul %max3A_56, %get3A_59, %dot_general3A_60 {dimension_numbers = #tpu.dot_dimension_numbers<[1], [0], [0], [1], [0, 0, 1, 1], [], []>, transpose_lhs_hint = false} : vector<10000x64xf32>, vector<64x64xf32>, vector<10000x64xf32> -> vector<10000x64xf32>
    %swap3A = arith.constant 0 : index
    %swap3A_62 = arith.constant 0 : index
    %swap3A_63 = vector.load %arg8[%swap3A, %swap3A_62] : memref<10000x64xf32, #tpu.memory_space<vmem>>, vector<10000x64xf32>
    tpu.vector_store %arg8[%swap3A, %swap3A_62], %dot_general3A_61 {strides = array<i32>} : memref<10000x64xf32, #tpu.memory_space<vmem>>, vector<10000x64xf32>,
    return
  }
}

module attributes {stable_mosaic.version = 14 : i64} {
  func.func @_fin_body(%arg0: memref<10000x64xf32, #tpu.memory_space<vmem>>, %arg1: memref<2x10112x64xf32, #tpu.memory_space<vmem>>, %arg2: memref<1x64xf32, #tpu.memory_space<vmem>>, %arg3: memref<1x64xf32, #tpu.memory_space<vmem>>, %arg4: memref<1x64xf32, #tpu.memory_space<vmem>>, %arg5: memref<64x128xf32, #tpu.memory_space<vmem>>, %arg6: memref<1x128xf32, #tpu.memory_space<vmem>>, %arg7: memref<10000x128xf32, #tpu.memory_space<vmem>>) attributes {dimension_semantics = [], scalar_prefetch = 0 : i64, scratch_operands = 0 : i64, tpu.core_type = #tpu.core_type<tc>} {
    %get3A = arith.constant 0 : index
    %get3A_0 = arith.constant 0 : index
    %get3A_1 = vector.load %arg0[%get3A, %get3A_0] : memref<10000x64xf32, #tpu.memory_space<vmem>>, vector<10000x64xf32>
    %get3A_2 = arith.constant 0 : index
    %get3A_3 = arith.constant 0 : index
    %get3A_4 = vector.load %arg2[%get3A_2, %get3A_3] : memref<1x64xf32, #tpu.memory_space<vmem>>, vector<1x64xf32>
    %add3A = vector.broadcast %get3A_4 : vector<1x64xf32> to vector<10000x64xf32>
    %add3A_5 = arith.addf %get3A_1, %add3A : vector<10000x64xf32>
    %get3A_6 = arith.constant 0 : index
    %get3A_7 = arith.constant 0 : index
    %get3A_8 = arith.constant 0 : index
    %get3A_9 = vector.load %arg1[%get3A_6, %get3A_7, %get3A_8] : memref<2x10112x64xf32, #tpu.memory_space<vmem>>, vector<1x10000x64xf32>
    %get3A_10 = vector.shape_cast %get3A_9 : vector<1x10000x64xf32> to vector<10000x64xf32>
    %add3A_11 = arith.addf %add3A_5, %get3A_10 : vector<10000x64xf32>
    %get3A_12 = arith.constant 1 : index
    %get3A_13 = arith.constant 0 : index
    %get3A_14 = arith.constant 0 : index
    %get3A_15 = vector.load %arg1[%get3A_12, %get3A_13, %get3A_14] : memref<2x10112x64xf32, #tpu.memory_space<vmem>>, vector<1x10000x64xf32>
    %get3A_16 = vector.shape_cast %get3A_15 : vector<1x10000x64xf32> to vector<10000x64xf32>
    %add3A_17 = arith.addf %add3A_11, %get3A_16 : vector<10000x64xf32>
    %reduce_sum3A = arith.constant dense<0.000000e+00> : vector<64xf32>
    %reduce_sum3A_18 = vector.multi_reduction <add>, %add3A_17, %reduce_sum3A [0] : vector<10000x64xf32> to vector<64xf32>
    %broadcast_in_dim3A = vector.shape_cast %reduce_sum3A_18 : vector<64xf32> to vector<1x64xf32>
    %div3A = arith.constant 1.000000e+04 : f32
    %div3A_19 = vector.broadcast %div3A : f32 to vector<1x64xf32>
    %div3A_20 = arith.divf %broadcast_in_dim3A, %div3A_19 : vector<1x64xf32>
    %sub3A = vector.broadcast %div3A_20 : vector<1x64xf32> to vector<10000x64xf32>
    %sub3A_21 = arith.subf %add3A_17, %sub3A : vector<10000x64xf32>
    %mul3A = arith.mulf %sub3A_21, %sub3A_21 : vector<10000x64xf32>
    %reduce_sum3A_22 = arith.constant dense<0.000000e+00> : vector<64xf32>
    %reduce_sum3A_23 = vector.multi_reduction <add>, %mul3A, %reduce_sum3A_22 [0] : vector<10000x64xf32> to vector<64xf32>
    %broadcast_in_dim3A_24 = vector.shape_cast %reduce_sum3A_23 : vector<64xf32> to vector<1x64xf32>
    %div3A_25 = arith.constant 1.000000e+04 : f32
    %div3A_26 = vector.broadcast %div3A_25 : f32 to vector<1x64xf32>
    %div3A_27 = arith.divf %broadcast_in_dim3A_24, %div3A_26 : vector<1x64xf32>
    %get3A_28 = arith.constant 0 : index
    %get3A_29 = arith.constant 0 : index
    %get3A_30 = vector.load %arg3[%get3A_28, %get3A_29] : memref<1x64xf32, #tpu.memory_space<vmem>>, vector<1x64xf32>
    %mul3A_31 = vector.broadcast %get3A_30 : vector<1x64xf32> to vector<10000x64xf32>
    %mul3A_32 = arith.mulf %mul3A_31, %sub3A_21 : vector<10000x64xf32>
    %add3A_33 = arith.constant 9.99999974E-6 : f32
    %add3A_34 = vector.broadcast %add3A_33 : f32 to vector<1x64xf32>
    %add3A_35 = arith.addf %div3A_27, %add3A_34 : vector<1x64xf32>
    %sqrt3A = math.sqrt %add3A_35 : vector<1x64xf32>
    %div3A_36 = vector.broadcast %sqrt3A : vector<1x64xf32> to vector<10000x64xf32>
    %div3A_37 = arith.divf %mul3A_32, %div3A_36 : vector<10000x64xf32>
    %get3A_38 = arith.constant 0 : index
    %get3A_39 = arith.constant 0 : index
    %get3A_40 = vector.load %arg4[%get3A_38, %get3A_39] : memref<1x64xf32, #tpu.memory_space<vmem>>, vector<1x64xf32>
    %add3A_41 = vector.broadcast %get3A_40 : vector<1x64xf32> to vector<10000x64xf32>
    %add3A_42 = arith.addf %div3A_37, %add3A_41 : vector<10000x64xf32>
    %max3A = arith.constant 0.000000e+00 : f32
    %max3A_43 = vector.broadcast %max3A : f32 to vector<10000x64xf32>
    %max3A_44 = arith.maximumf %add3A_42, %max3A_43 : vector<10000x64xf32>
    %get3A_45 = arith.constant 0 : index
    %get3A_46 = arith.constant 0 : index
    %get3A_47 = vector.load %arg5[%get3A_45, %get3A_46] : memref<64x128xf32, #tpu.memory_space<vmem>>, vector<64x128xf32>
    %dot_general3A = arith.constant dense<0.000000e+00> : vector<10000x128xf32>
    %dot_general3A_48 = tpu.matmul %max3A_44, %get3A_47, %dot_general3A {dimension_numbers = #tpu.dot_dimension_numbers<[1], [0], [0], [1], [0, 0, 1, 1], [], []>, transpose_lhs_hint = false} : vector<10000x64xf32>, vector<64x128xf32>, vector<10000x128xf32> -> vector<10000x128xf32>
    %get3A_49 = arith.constant 0 : index
    %get3A_50 = arith.constant 0 : index
    %get3A_51 = vector.load %arg6[%get3A_49, %get3A_50] : memref<1x128xf32, #tpu.memory_space<vmem>>, vector<1x128xf32>
    %add3A_52 = vector.broadcast %get3A_51 : vector<1x128xf32> to vector<10000x128xf32>
    %add3A_53 = arith.addf %dot_general3A_48, %add3A_52 : vector<10000x128xf32>
    %reduce_max3A = arith.constant dense<0xFF800000> : vector<10000xf32>
    %reduce_max3A_54 = vector.multi_reduction <maximumf>, %add3A_53, %reduce_max3A [1] : vector<10000x128xf32> to vector<10000xf32>
    %broadcast_in_dim3A_55 = vector.shape_cast %reduce_max3A_54 : vector<10000xf32> to vector<10000x1xf32>
    %sub3A_56 = vector.broadcast %broadcast_in_dim3A_55 : vector<10000x1xf32> to vector<10000x128xf32>
    %sub3A_57 = arith.subf %add3A_53, %sub3A_56 : vector<10000x128xf32>
    %exp3A = math.exp %sub3A_57 : vector<10000x128xf32>
    %reduce_sum3A_58 = arith.constant dense<0.000000e+00> : vector<10000xf32>
    %reduce_sum3A_59 = vector.multi_reduction <add>, %exp3A, %reduce_sum3A_58 [1] : vector<10000x128xf32> to vector<10000xf32>
    %broadcast_in_dim3A_60 = vector.shape_cast %reduce_sum3A_59 : vector<10000xf32> to vector<10000x1xf32>
    %log3A = math.log %broadcast_in_dim3A_60 : vector<10000x1xf32>
    %sub3A_61 = vector.broadcast %log3A : vector<10000x1xf32> to vector<10000x128xf32>
    %sub3A_62 = arith.subf %sub3A_57, %sub3A_61 : vector<10000x128xf32>
    %swap3A = arith.constant 0 : index
    %swap3A_63 = arith.constant 0 : index
    %swap3A_64 = vector.load %arg7[%swap3A, %swap3A_63] : memref<10000x128xf32, #tpu.memory_space<vmem>>, vector<10000x128xf32>
    tpu.vector_store %arg7[%swap3A, %swap3A_63], %sub3A_62 {strides = array<i32>} : memref<10000x128xf32, #tpu.memory_space<vmem>>, vector<10000x128xf32>,
    return
  }
}

</mosaic_0001>

<sc_bundles>
// kernel: kernel.10.cloned.1.call-start
scs
__scs_entry_jumppad:
0x0: {  	(pc) =	sbr.rel $0x88, $3  }
0x1: {  	(tag) =	ssettag $0x0;
	lr =	simm.s32 $0x1  }
0x2: {  	[smem:$0x3F93] =	sst lr;
	_ =	strace $0xD0000000  }
0x3: {  	_ = 	snop  }
0x4: {  	_ = 	snop  }
0x5: {  	_ = 	snop  }
0x6: {  	_ = 	snop  }
0x7: {  	_ = 	snop  }
__scs_overlays_trampoline_lowered:
0x8: {  	[smem:$0x3FA2] =	sst s0  }
0x9: {  	[smem:$0x3FA3] =	sst s1  }
0xa: {  	[smem:$0x3FA4] =	sst s2  }
0xb: {  	[smem:$0x3FA5] =	sst s3  }
0xc: {  	[smem:$0x3FA6] =	sst s4  }
0xd: {  	[smem:$0x3FA7] =	sst s5  }
0xe: {  	[smem:$0x3FA8] =	sst s6  }
0xf: {  	[smem:$0x3FA9] =	sst s7  }
0x10: {  	[smem:$0x3FAA] =	sst s8  }
0x11: {  	[smem:$0x3FAB] =	sst s9;
	s0 =	simm.s32 @!p0 $0x0  }
0x12: {  	s1 =	sld [smem:$0x3F91];
	s0 =	simm.s32 @p0 $0x1  }
0x13: {  	[smem:$0x3FAC] =	sst s0;
	s0 =	simm.s32 @!p1 $0x0  }
0x14: {  	s2 =	sld [smem:$0x3F90];
	s0 =	simm.s32 @p1 $0x1  }
0x15: {  	[smem:$0x3FAD] =	sst s0;
	s0 =	simm.s32 @!p2 $0x0  }
0x16: {  	s3 =	sld [smem:$0x3FDB];
	s0 =	simm.s32 @p2 $0x1  }
0x17: {  	s4 =	simm.s32 $0x1BF5;
	[smem:$0x3FAF] =	sst s0  }
0x18: {  	s0 =	sld [smem:$0x3F92];
	_ =	swait.ge [sflag:s4], $0x0  }
0x19: {  	s7 =	sld [smem:$0x3F93]  }
0x1a: {  	s8 =	sadd.s32 $0xFFFFE003, lr  }
0x1b: {  	s9 =	sadd.s32 $0xFFFFFEF7, lr;
	s5 =	simm.s32 $0xFFFFFFFF;
	p2 =	slt.u32 s8, $0xFFFFF086  }
0x1c: {  	p1 =	slt.u32 s9, $0xF7A;
	s5 =	simm.s32 @!p2 $0x0  }
0x1d: {  	s5 =	simm.s32 @p1 $0x1;
	p0 =	seq.s32 s7, s2  }
0x1e: {  	s7 =	smul.u32 @!p0 $0xF7A, s2;
	p2 =	seq.s32 @!p0 s5, $0x0  }
0x1f: {  	s9 =	smul.u32 $0xF7A, s1;
	s8 =	simm.s32 @!p0 $0x1BF5;
	p2 =	por !p2, p0  }
0x20: {  	[sflag:s8] =	ssyncset.s32 @!p0 $0xFFFFF086;
	s6 =	sadd.s32 @!p0 s3, s7;
	s7 =	simm.s32 @!p0 $0x108  }
0x21: {  	s3 =	sadd.s32 s3, s9;
	s6 =	sadd.s32 @!p0 $0x88, s6;
	s7 =	simm.s32 @p2 $0x1082  }
0x22: {  	[simem:s7], [sflag:s8] =	dma.local @!p0 [hbm:s6], $0xF7A  }
0x23: {  	s9 =	sor.u32 $0xD0000000, s2;
	s6 =	simm.s32 $0x108;
	_ =	swait.ge @!p0 [sflag:s8], $0x0  }
0x24: {  	s3 =	sadd.s32 $0x88, s3;
	s6 =	simm.s32 @!p1 $0x1082;
	[sflag:s4] =	ssyncset.s32 $0xFFFFF086  }
0x25: {  	[simem:s6], [sflag:s4] =	dma.local [hbm:s3], $0xF7A  }
0x26: {  	[smem:$0x3F93] =	sst s1;
	(tag) =	ssettag s2;
	_ =	strace s9  }
0x27: {  	s1 =	sld [smem:$0x3FA3]  }
0x28: {  	s2 =	sld [smem:$0x3FA4]  }
0x29: {  	s4 =	sld [smem:$0x3FA6]  }
0x2a: {  	p0 =	seq.s32 s5, $0x0;
	s5 =	sld [smem:$0x3FA7]  }
0x2b: {  	s6 =	sld [smem:$0x3FA8]  }
0x2c: {  	s7 =	sld [smem:$0x3FA9]  }
0x2d: {  	s3 =	simm.s32 $0x108;
	s8 =	sld [smem:$0x3FAA]  }
0x2e: {  	s3 =	simm.s32 @!p0 $0x1082;
	s9 =	sld [smem:$0x3FAB]  }
0x2f: {  	lr =	sadd.s32 s0, s3;
	s0 =	sld [smem:$0x3FA2]  }
0x30: {  	s3 =	sld [smem:$0x3FA5]  }
0x31: {  	[smem:$0x3FAE] =	sst s10  }
0x32: {  	s10 =	sld [smem:$0x3FAC];
	_ =	sdelay $0x3  }
0x33: {  	p0 =	seq.s32 s10, $0x1;
	s10 =	sld [smem:$0x3FAE];
	_ =	sdelay $0x3  }
0x34: {  	[smem:$0x3FAE] =	sst s10  }
0x35: {  	s10 =	sld [smem:$0x3FAD];
	_ =	sdelay $0x3  }
0x36: {  	p1 =	seq.s32 s10, $0x1;
	s10 =	sld [smem:$0x3FAE];
	_ =	sdelay $0x3  }
0x37: {  	[smem:$0x3FAE] =	sst s10  }
0x38: {  	s10 =	sld [smem:$0x3FAF]  }
0x39: {  	_ = 	snop;
	(pc) =	sbr.ind lr, $3  }
0x3a: {  	_ = 	snop  }
0x3b: {  	_ = 	snop  }
0x3c: {  	p2 =	seq.s32 s10, $0x1;
	s10 =	sld [smem:$0x3FAE]  }
0x3d: {  	_ =	shalt  }
0x3e: {  	_ =	shalt  }
0x3f: {  	_ =	shalt  }
0x40: {  	_ =	shalt  }
0x41: {  	_ =	shalt  }
0x42: {  	_ =	shalt  }
0x43: {  	_ =	shalt  }
0x44: {  	_ =	shalt  }
0x45: {  	_ =	shalt  }
0x46: {  	_ =	shalt  }
0x47: {  	_ =	shalt  }
0x48: {  	_ =	shalt  }
0x49: {  	_ =	shalt  }
0x4a: {  	_ =	shalt  }
0x4b: {  	_ =	shalt  }
0x4c: {  	_ =	shalt  }
0x4d: {  	_ =	shalt  }
0x4e: {  	_ =	shalt  }
0x4f: {  	_ =	shalt  }
0x50: {  	_ =	shalt  }
0x51: {  	_ =	shalt  }
0x52: {  	_ =	shalt  }
0x53: {  	_ =	shalt  }
0x54: {  	_ =	shalt  }
0x55: {  	_ =	shalt  }
0x56: {  	_ =	shalt  }
0x57: {  	_ =	shalt  }
0x58: {  	_ =	shalt  }
0x59: {  	_ =	shalt  }
0x5a: {  	_ =	shalt  }
0x5b: {  	_ =	shalt  }
0x5c: {  	_ =	shalt  }
0x5d: {  	_ =	shalt  }
0x5e: {  	_ =	shalt  }
0x5f: {  	_ =	shalt  }
0x60: {  	_ =	shalt  }
0x61: {  	_ =	shalt  }
0x62: {  	_ =	shalt  }
0x63: {  	_ =	shalt  }
0x64: {  	_ =	shalt  }
0x65: {  	_ =	shalt  }
0x66: {  	_ =	shalt  }
0x67: {  	_ =	shalt  }
0x68: {  	_ =	shalt  }
0x69: {  	_ =	shalt  }
0x6a: {  	_ =	shalt  }
0x6b: {  	_ =	shalt  }
0x6c: {  	_ =	shalt  }
0x6d: {  	_ =	shalt  }
0x6e: {  	_ =	shalt  }
0x6f: {  	_ =	shalt  }
0x70: {  	_ =	shalt  }
0x71: {  	_ =	shalt  }
0x72: {  	_ =	shalt  }
0x73: {  	_ =	shalt  }
0x74: {  	_ =	shalt  }
0x75: {  	_ =	shalt  }
0x76: {  	_ =	shalt  }
0x77: {  	_ =	shalt  }
0x78: {  	_ =	shalt  }
0x79: {  	_ =	shalt  }
0x7a: {  	_ =	shalt  }
0x7b: {  	_ =	shalt  }
0x7c: {  	_ =	shalt  }
0x7d: {  	_ =	shalt  }
0x7e: {  	_ =	shalt  }
0x7f: {  	_ =	shalt  }
0x80: {  	_ =	shalt  }
0x81: {  	_ =	shalt  }
0x82: {  	_ =	shalt  }
0x83: {  	_ =	shalt  }
0x84: {  	_ =	shalt  }
0x85: {  	_ =	shalt  }
0x86: {  	_ =	shalt  }
0x87: {  	_ =	shalt  }
.Lfunc_end0:
.L_simem_size_0:
called_computation.1_lowered:
.L_overlay_start_0:
0x88: {  	s2 =	sld [smem:$0x3FD9]  }
0x89: {  	s3 =	sld [smem:$0x3FFE];
	_ =	sdelay $0x1  }
0x8a: {  	s1 =	srdreg.scid  }
0x8b: {  	s0 =	sand.u32 $0x1, s1  }
0x8c: {  	s17 =	sshll.u32 s0, $0xA;
	s2 =	sadd.s32 s3, s2  }
0x8d: {  	s2 =	sadd.s32 s2, s17  }
0x8e: {  	[smem:$0x3FBA] =	sst s2  }
0x8f: {  	_ = 	snop  }
0x90: {  	s2 =	sld [smem:$0x3FD0];
	(tm) =	ssettm $0x1  }
0x91: {  	s18 =	sld [smem:$0x3FFB];
	_ =	sdelay $0x3  }
0x92: {  	_ =	strace s18  }
0x93: {  	s3 =	sld [smem:$0x3FFC];
	_ =	sdelay $0x3  }
0x94: {  	_ =	strace s3  }
0x95: {  	s3 =	sld [smem:$0x3FFD];
	_ =	sdelay $0x3  }
0x96: {  	_ =	strace s3  }
0x97: {  	_ =	strace $0x8FFFFFFF  }
0x98: {  	s19 =	sld [smem:$0x3FDB];
	_ =	sdelay $0x1  }
0x99: {  	s4 =	simm.s32 $_scs_section_size  }
0x9a: {  	s5 =	simm.s32 $_size__tile_overlayer_lowered;
	s6 =	simm.s32 $_tile_overlayer_lowered  }
0x9b: {  	s22 =	simm.s32 $0x1BFF;
	s21 =	sshll.u32 s6, $0x1;
	s3 =	sadd.s32 s4, s19  }
0x9c: {  	s7 =	simm.s32 $0x0;
	s20 =	sshll.u32 s5, $0x1;
	s5 =	sadd.s32 s21, s3  }
0x9d: {  	[timem:s7], [sflag:s22] =	dma.local [hbm:s5], s20  }
0x9e: {  	_ =	swait.ge [sflag:s22], s20  }
0x9f: {  	s4 =	ssub.s32 $0x0, s20;
	[sflag:s22] =	ssyncset.done $0x0  }
0xa0: {  	[sflag:s22] =	ssyncadd.s32 s4;
	_ =	sdelay $0x1  }
0xa1: {  	s23 =	simm.s32 $0x1B8B  }
0xa2: {  	_ =	swait.ge [sflag:s23], $0x1  }
0xa3: {  	[sflag:s23] =	ssyncset.done $0x0  }
0xa4: {  	s25 =	simm.s32 $0x1B8E;
	s24 =	sld [smem:$0x3FFE];
	[sflag:s23] =	ssyncadd.s32 $0xFFFFFFFF  }
0xa5: {  	s26 =	simm.s32 $execute0_lowered;
	[smem:$0x3FD2] =	sst s25  }
0xa6: {  	s5 =	sshll.u32 s26, $0x1;
	_ =	strace $0x8000004C;
	[dreg:$0x1] =	wrdreg $0xFFFFFFFF  }
0xa7: {  	s28 =	simm.s32 $_size_execute0_lowered;
	s3 =	sadd.s32 s3, s5;
	[dreg:$0x0] =	wrdreg $0x0  }
0xa8: {  	s5 =	sshll.u32 s28, $0x1;
	[dreg:$0x2] =	wrdreg s3  }
0xa9: {  	[dreg:$0x3] =	wrdreg s5  }
0xaa: {  	[dreg:$0x4] =	wrdreg $0xC0  }
0xab: {  	_ =	task [dreg:s7], $0x5FFFF  }
0xac: {  	[dreg:$0x1] =	wrdreg $0xFFFFFFFF  }
0xad: {  	[dreg:$0x0] =	wrdreg $0x60  }
0xae: {  	[dreg:$0x2] =	wrdreg s24  }
0xaf: {  	[dreg:$0x3] =	wrdreg s2  }
0xb0: {  	[dreg:$0x4] =	wrdreg $0xD0000  }
0xb1: {  	[dreg:$0x5] =	wrdreg $0x9  }
0xb2: {  	_ =	task.clear_ibuf [dreg:s7], $0x6FFFF;
	_ =	strace $0x9000004C  }
0xb3: {  	s29 =	simm.s32 $0x9;
	_ =	strace $0x80000051  }
0xb4: {  	_ =	swait.ge [sflag:s29], $0x1  }
0xb5: {  	[sflag:s29] =	ssyncadd.s32 $0xFFFFFFFF  }
0xb6: {  	_ =	strace $0x90000051  }
0xb7: {  	_ =	sfence  }
0xb8: {  	s30 =	sld [smem:$0x0];
	_ =	sdelay $0x2  }
0xb9: {  	s31 =	sshll.u32 s1, $0xD;
	s1 =	sshrl.u32 s1, $0x2  }
0xba: {  	s3 =	sand.u32 $0x4000, s31;
	s1 =	sadd.s32 s1, s30  }
0xbb: {  	s0 =	sor.u32 s3, s0;
	s1 =	sshll.u32 s1, $0x11  }
0xbc: {  	s0 =	sor.u32 s1, s0  }
0xbd: {  	s0 =	sadd.s32 $0x8F2B, s0  }
0xbe: {  	[sflag:s0] =	ssyncadd.remote.s32 $0x1  }
0xbf: {  	_ =	sfence.sel $0xFFFF  }
0xc0: {  	[dreg:$0x0] =	wrdreg $0xFFFFFFFF;
	(pc) =	sbr.abs _section_cstart, $3  }
0xc1: {  	[dreg:$0x1] =	wrdreg $0xFFFFFFFF  }
0xc2: {  	_ =	task.clear_ibuf [dreg:s7], $0x2FFFF;
	_ =	strace $0x9FFFFFFF  }
0xc3: {  	(tm) =	ssettm $0x7FFFFFFF  }
tec
execute0_lowered:
.L_overlay_start_1:
0x0: {  	(tag) =	ssettag $0x1  }
0x1: {  	s5 =	rddreg [dreg:$0x0]  }
0x2: {  	s6 =	rddreg [dreg:$0x1]  }
0x3: {  	s2 =	rddreg [dreg:$0x2];
	s3 =	srdreg.scid  }
0x4: {  	s0 =	rddreg [dreg:$0x3];
	s1 =	stileid.u32  }
0x5: {  	s13 =	simm.s32 $0x2800;
	s14 =	simm.s32 $0x100;
	s15 =	simm.s32 $0x5000  }
0x6: {  	s16 =	simm.s32 $0x9000;
	s17 =	simm.s32 $0x1;
	s18 =	simm.s32 $0x3  }
0x7: {  	s19 =	simm.s32 $0x200;
	s20 =	simm.s32 $0x2;
	s21 =	simm.s32 $0x2900  }
0x8: {  	s22 =	simm.s32 $0x4;
	s23 =	simm.s32 $0x2700;
	s24 =	simm.s32 $0x4E00  }
0x9: {  	s25 =	simm.s32 $0x4F00;
	s26 =	simm.s32 $0x0;
	s7 =	sand.u32 $0x1, s3  }
0xa: {  	s3 =	simm.s32 $0x0;
	s8 =	smul.u32 $0x9E00, s1;
	s31 =	sshll.u32 s1, $0x6  }
0xb: {  	s4 =	sshll.u32 s7, $0x4;
	[smem:$0x7FF] =	sst s3;
	s9 =	smul.u32 $0x9E000, s7  }
0xc: {  	s7 =	ssub.s32 $0x2, s7;
	s4 =	sor.u32 s1, s4;
	_ =	strace $0x8000004D  }
0xd: {  	s11 =	sshrl.u32 s7, $0x1;
	s30 =	sshrl.u32 s8, $0x3;
	s10 =	smul.u32 $0x500, s4  }
0xe: {  	s12 =	sadd.s32 s8, s2;
	s4 =	sadd.s32 $0x1800, s5;
	s9 =	sadd.s32 s8, s9  }
0xf: {  	s11 =	ssub.s32 s7, s11;
	s9 =	sshrl.u32 s9, $0x3;
	s10 =	sadd.s32 s10, s5  }
0x10: {  	s9 =	sadd.s32 s9, s5;
	s5 =	sadd.s32 s6, s30;
	s6 =	sadd.s32 $0x1F200, s10  }
0x11: {  	s7 =	sadd.s32 $0x15200, s10;
	s8 =	sadd.s32 $0x29200, s9;
	s9 =	smax.u32 s11, $0x1  }
0x12: {  	s10 =	sor.u32 $0x1C05, s31;
	s11 =	sshrl.u32 s12, $0x3;
	s12 =	simm.s32 $0x5  }
.LBB2_1:
0x13: {  	_ =	strace $0x8000004E  }
0x14: {  	[spmem:s11], [sflag:s10] =	dma.local [hbm:s5], $0x13C0  }
0x15: {  	_ =	swait.ge [sflag:s12], $0x13C0  }
0x16: {  	[sflag:s12] =	ssyncset.done $0x0  }
0x17: {  	[sflag:s12] =	ssyncadd.s32 $0xFFFFEC40  }
0x18: {  	[tilespmem:s3], [sflag:$0x5] =	stream.linear.gather [hbm4b:s6+s3], $0x2800, $0x200038;
	[tilespmem:$0x16E00] =	vst v63  }
0x19: {  	_ =	swait.ge [sflag:s12], $0x2800  }
0x1a: {  	[sflag:s12] =	ssyncset.done $0x0  }
0x1b: {  	[sflag:s12] =	ssyncadd.s32 $0xFFFFD800  }
0x1c: {  	[tilespmem:s13], [sflag:$0x5] =	stream.linear.gather [hbm4b:s7+s3], $0x2800, $0x200038;
	[tilespmem:$0x16E00] =	vst v63  }
0x1d: {  	_ =	swait.ge [sflag:s12], $0x2800  }
0x1e: {  	[sflag:s12] =	ssyncset.done $0x0  }
0x1f: {  	[sflag:s12] =	ssyncadd.s32 $0xFFFFD800  }
0x20: {  	[bflag:$0x0] =	sbarrier.arrive $0xFFFF  }
0x21: {  	_ =	strace $0x9000004E  }
0x22: {  	_ =	strace $0x8000004F  }
0x23: {  	[tilespmem:s15], [sflag:$0x1] =	stream.indirect.gather [hbm4b:s4+s14], $0x40, s3, s14, $0x2000b8;
	[tilespmem:$0x16E00] =	vst v63  }
0x24: {  	_ = 	snop  }
0x25: {  	[tilespmem:s16], [sflag:$0x2] =	stream.indirect.gather [hbm4b:s4+s14], $0x40, s14, s14, $0x2000b8;
	[tilespmem:$0x16E00] =	vst v63  }
0x26: {  	_ =	swait.ge [sflag:s17], $0x4000  }
0x27: {  	[sflag:s17] =	ssyncset.done $0x0  }
0x28: {  	[sflag:s17] =	ssyncadd.s32 $0xFFFFC000  }
0x29: {  	[spmem:s2] =	stream.indirect.scatter.add.f32 [tilespmem:s15], [sflag:$0x3], $0x40, s13, s14, $0x2000b8;
	[tilespmem:$0x16E00] =	vst v63  }
0x2a: {  	_ =	swait.ge [sflag:s18], $0x4000  }
0x2b: {  	[sflag:s18] =	ssyncset.done $0x0  }
0x2c: {  	[sflag:s18] =	ssyncadd.s32 $0xFFFFC000  }
0x2d: {  	[tilespmem:s15], [sflag:$0x1] =	stream.indirect.gather [hbm4b:s4+s14], $0x40, s19, s14, $0x2000b8;
	[tilespmem:$0x16E00] =	vst v63  }
0x2e: {  	_ =	swait.ge [sflag:s20], $0x4000  }
0x2f: {  	[sflag:s20] =	ssyncset.done $0x0  }
0x30: {  	[sflag:s20] =	ssyncadd.s32 $0xFFFFC000  }
0x31: {  	[spmem:s2] =	stream.indirect.scatter.add.f32 [tilespmem:s16], [sflag:$0x4], $0x40, s21, s14, $0x2000b8;
	[tilespmem:$0x16E00] =	vst v63  }
0x32: {  	_ =	swait.ge [sflag:s22], $0x4000  }
0x33: {  	[sflag:s22] =	ssyncset.done $0x0  }
0x34: {  	s28 =	simm.s32 $0x300;
	[sflag:s22] =	ssyncadd.s32 $0xFFFFC000  }
0x35: {  	[tilespmem:s16], [sflag:$0x2] =	stream.indirect.gather [hbm4b:s4+s14], $0x40, s28, s14, $0x2000b8;
	[tilespmem:$0x16E00] =	vst v63  }
0x36: {  	_ =	swait.ge [sflag:s17], $0x4000  }
0x37: {  	[sflag:s17] =	ssyncset.done $0x0  }
0x38: {  	s28 =	simm.s32 $0x2A00;
	[sflag:s17] =	ssyncadd.s32 $0xFFFFC000  }
0x39: {  	[spmem:s2] =	stream.indirect.scatter.add.f32 [tilespmem:s15], [sflag:$0x3], $0x40, s28, s14, $0x2000b8;
	[tilespmem:$0x16E00] =	vst v63  }
0x3a: {  	_ =	swait.ge [sflag:s18], $0x4000  }
0x3b: {  	[sflag:s18] =	ssyncset.done $0x0  }
0x3c: {  	s28 =	simm.s32 $0x400;
	[sflag:s18] =	ssyncadd.s32 $0xFFFFC000  }
0x3d: {  	[tilespmem:s15], [sflag:$0x1] =	stream.indirect.gather [hbm4b:s4+s14], $0x40, s28, s14, $0x2000b8;
	[tilespmem:$0x16E00] =	vst v63  }
0x3e: {  	_ =	swait.ge [sflag:s20], $0x4000  }
0x3f: {  	[sflag:s20] =	ssyncset.done $0x0  }
0x40: {  	s29 =	simm.s32 $0x2B00;
	s28 =	simm.s32 $0xFFFF7800;
	[sflag:s20] =	ssyncadd.s32 $0xFFFFC000  }
.LBB2_2:
0x41: {  	[spmem:s2] =	stream.indirect.scatter.add.f32 [tilespmem:s16], [sflag:$0x4], $0x40, s29, s14, $0x2000b8;
	[tilespmem:$0x16E00] =	vst v63  }
0x42: {  	s29 =	smov.u32 s28  }
0x43: {  	p0 =	sne.s32 s28, $0xFFFFF800;
	s28 =	sadd.s32 $0x800, s28;
	_ =	swait.ge [sflag:s22], $0x4000  }
0x44: {  	s29 =	sshra.s32 s29, $0x2;
	[sflag:s22] =	ssyncset.done $0x0  }
0x45: {  	s30 =	sadd.s32 $0x2700, s29;
	[sflag:s22] =	ssyncadd.s32 $0xFFFFC000  }
0x46: {  	[tilespmem:s16], [sflag:$0x2] =	stream.indirect.gather [hbm4b:s4+s14], $0x40, s30, s14, $0x2000b8;
	[tilespmem:$0x16E00] =	vst v63  }
0x47: {  	_ =	swait.ge [sflag:s17], $0x4000  }
0x48: {  	[sflag:s17] =	ssyncset.done $0x0  }
0x49: {  	s30 =	sadd.s32 $0x4E00, s29;
	[sflag:s17] =	ssyncadd.s32 $0xFFFFC000  }
0x4a: {  	[spmem:s2] =	stream.indirect.scatter.add.f32 [tilespmem:s15], [sflag:$0x3], $0x40, s30, s14, $0x2000b8;
	[tilespmem:$0x16E00] =	vst v63  }
0x4b: {  	_ =	swait.ge [sflag:s18], $0x4000  }
0x4c: {  	[sflag:s18] =	ssyncset.done $0x0  }
.Ltmp0:
0x4d: {  	s30 =	sadd.s32 $0x2800, s29;
	[sflag:s18] =	ssyncadd.s32 $0xFFFFC000;
	(pc) =	sbr.rel @p0 .LBB2_2-.Ltmp0, $4  }
0x4e: {  	[tilespmem:s15], [sflag:$0x1] =	stream.indirect.gather [hbm4b:s4+s14], $0x40, s30, s14, $0x2000b8;
	[tilespmem:$0x16E00] =	vst v63  }
0x4f: {  	_ =	swait.ge [sflag:s20], $0x4000  }
0x50: {  	[sflag:s20] =	ssyncset.done $0x0  }
0x51: {  	s29 =	sadd.s32 $0x4F00, s29;
	[sflag:s20] =	ssyncadd.s32 $0xFFFFC000  }
0x52: {  	[spmem:s2] =	stream.indirect.scatter.add.f32 [tilespmem:s16], [sflag:$0x4], $0x40, s29, s14, $0x2000b8;
	[tilespmem:$0x16E00] =	vst v63  }
0x53: {  	_ =	swait.ge [sflag:s22], $0x4000  }
0x54: {  	[sflag:s22] =	ssyncset.done $0x0  }
0x55: {  	[sflag:s22] =	ssyncadd.s32 $0xFFFFC000  }
0x56: {  	[tilespmem:s16], [sflag:$0x2] =	stream.indirect.gather [hbm4b:s4+s14], $0x40, s23, s14, $0x2000b8;
	[tilespmem:$0x16E00] =	vst v63  }
0x57: {  	_ =	swait.ge [sflag:s17], $0x4000  }
0x58: {  	[sflag:s17] =	ssyncset.done $0x0  }
0x59: {  	[sflag:s17] =	ssyncadd.s32 $0xFFFFC000  }
0x5a: {  	[spmem:s2] =	stream.indirect.scatter.add.f32 [tilespmem:s15], [sflag:$0x3], $0x40, s24, s14, $0x2000b8;
	[tilespmem:$0x16E00] =	vst v63  }
0x5b: {  	_ =	swait.ge [sflag:s20], $0x4000  }
0x5c: {  	[sflag:s20] =	ssyncset.done $0x0  }
0x5d: {  	[sflag:s20] =	ssyncadd.s32 $0xFFFFC000  }
0x5e: {  	[spmem:s2] =	stream.indirect.scatter.add.f32 [tilespmem:s16], [sflag:$0x4], $0x40, s25, s14, $0x2000b8;
	[tilespmem:$0x16E00] =	vst v63  }
0x5f: {  	_ =	swait.ge [sflag:s18], $0x4000  }
0x60: {  	[sflag:s18] =	ssyncset.done $0x0  }
0x61: {  	[sflag:s18] =	ssyncadd.s32 $0xFFFFC000  }
0x62: {  	_ =	swait.ge [sflag:s22], $0x4000  }
0x63: {  	[sflag:s22] =	ssyncset.done $0x0  }
0x64: {  	[sflag:s22] =	ssyncadd.s32 $0xFFFFC000  }
0x65: {  	_ =	strace $0x9000004F  }
0x66: {  	s26 =	sadd.s32 $0x1, s26;
	_ =	strace $0x80000050  }
0x67: {  	p0 =	sne.s32 s26, s9;
	[bflag:$0x0] =	sbarrier.arrive $0xFFFF  }
0x68: {  	[hbm:s8], [sflag:s10] =	dma.local [spmem:s11], $0x13C0  }
.Ltmp1:
0x69: {  	_ = 	snop;
	(pc) =	sbr.rel @p0 .LBB2_1-.Ltmp1, $4  }
0x6a: {  	_ =	swait.ge [sflag:s12], $0x13C0  }
0x6b: {  	[sflag:s12] =	ssyncset.done $0x0  }
0x6c: {  	[sflag:s12] =	ssyncadd.s32 $0xFFFFEC40  }
0x6d: {  	_ =	strace $0x90000050  }
0x6e: {  	_ =	sfence.sel $0x180000  }
0x6f: {  	[bflag:$0x0] =	sbarrier.arrive $0xFFFF  }
0x70: {  	p0 =	sne.s32 s1, $0x0;
	_ =	strace $0x9000004D  }
0x71: {  	s0 =	sadd.s32 @!p0 $0x100000, s0;
	[bflag:$0x2] =	sbarrier.arrive $0xFFFF  }
0x72: {  	[sflag:s0] =	ssyncadd.tile.s32 @!p0 $0x1;
	_ =	shalt  }
.Lfunc_end2:
_tile_overlayer_lowered:
.L_overlay_start_2:
0x73: {  	(tag) =	ssettag $0x2  }
0x74: {  	s0 =	rddreg [dreg:$0x0];
	s2 =	stileid.u32  }
0x75: {  	s1 =	rddreg [dreg:$0x1];
	p0 =	sne.s32 s2, $0x0  }
0x76: {  	s3 =	rddreg [dreg:$0x2];
	[bflag:$0x3] =	sbarrier.arrive $0xFFFF;
	s2 =	simm.s32 @!p0 $0x1C05  }
0x77: {  	[timem:s3], [sflag:s2] =	dma.local @!p0 [hbm:s0], s1  }
0x78: {  	s0 =	simm.s32 @!p0 $0x5  }
0x79: {  	_ =	swait.ge @!p0 [sflag:s0], s1  }
0x7a: {  	s1 =	ssub.s32 @!p0 $0x0, s1;
	[sflag:s0] =	ssyncset.done @!p0 $0x0  }
0x7b: {  	[sflag:s0] =	ssyncadd.s32 @!p0 s1  }
0x7c: {  	[bflag:$0x3] =	sbarrier.arrive $0xFFFF  }
0x7d: {  	_ =	shalt  }

// kernel: kernel.7.cloned.1.call-start
scs
__scs_entry_jumppad:
0x0: {  	(pc) =	sbr.rel $0x88, $3  }
0x1: {  	(tag) =	ssettag $0x0;
	lr =	simm.s32 $0x1  }
0x2: {  	[smem:$0x3F93] =	sst lr;
	_ =	strace $0xD0000000  }
0x3: {  	_ = 	snop  }
0x4: {  	_ = 	snop  }
0x5: {  	_ = 	snop  }
0x6: {  	_ = 	snop  }
0x7: {  	_ = 	snop  }
__scs_overlays_trampoline_lowered:
0x8: {  	[smem:$0x3FA2] =	sst s0  }
0x9: {  	[smem:$0x3FA3] =	sst s1  }
0xa: {  	[smem:$0x3FA4] =	sst s2  }
0xb: {  	[smem:$0x3FA5] =	sst s3  }
0xc: {  	[smem:$0x3FA6] =	sst s4  }
0xd: {  	[smem:$0x3FA7] =	sst s5  }
0xe: {  	[smem:$0x3FA8] =	sst s6  }
0xf: {  	[smem:$0x3FA9] =	sst s7  }
0x10: {  	[smem:$0x3FAA] =	sst s8  }
0x11: {  	[smem:$0x3FAB] =	sst s9;
	s0 =	simm.s32 @!p0 $0x0  }
0x12: {  	s1 =	sld [smem:$0x3F91];
	s0 =	simm.s32 @p0 $0x1  }
0x13: {  	[smem:$0x3FAC] =	sst s0;
	s0 =	simm.s32 @!p1 $0x0  }
0x14: {  	s2 =	sld [smem:$0x3F90];
	s0 =	simm.s32 @p1 $0x1  }
0x15: {  	[smem:$0x3FAD] =	sst s0;
	s0 =	simm.s32 @!p2 $0x0  }
0x16: {  	s3 =	sld [smem:$0x3FDB];
	s0 =	simm.s32 @p2 $0x1  }
0x17: {  	s4 =	simm.s32 $0x1BF5;
	[smem:$0x3FAF] =	sst s0  }
0x18: {  	s0 =	sld [smem:$0x3F92];
	_ =	swait.ge [sflag:s4], $0x0  }
0x19: {  	s7 =	sld [smem:$0x3F93]  }
0x1a: {  	s8 =	sadd.s32 $0xFFFFE003, lr  }
0x1b: {  	s9 =	sadd.s32 $0xFFFFFEF7, lr;
	s5 =	simm.s32 $0xFFFFFFFF;
	p2 =	slt.u32 s8, $0xFFFFF086  }
0x1c: {  	p1 =	slt.u32 s9, $0xF7A;
	s5 =	simm.s32 @!p2 $0x0  }
0x1d: {  	s5 =	simm.s32 @p1 $0x1;
	p0 =	seq.s32 s7, s2  }
0x1e: {  	s7 =	smul.u32 @!p0 $0xF7A, s2;
	p2 =	seq.s32 @!p0 s5, $0x0  }
0x1f: {  	s9 =	smul.u32 $0xF7A, s1;
	s8 =	simm.s32 @!p0 $0x1BF5;
	p2 =	por !p2, p0  }
0x20: {  	[sflag:s8] =	ssyncset.s32 @!p0 $0xFFFFF086;
	s6 =	sadd.s32 @!p0 s3, s7;
	s7 =	simm.s32 @!p0 $0x108  }
0x21: {  	s3 =	sadd.s32 s3, s9;
	s6 =	sadd.s32 @!p0 $0x88, s6;
	s7 =	simm.s32 @p2 $0x1082  }
0x22: {  	[simem:s7], [sflag:s8] =	dma.local @!p0 [hbm:s6], $0xF7A  }
0x23: {  	s9 =	sor.u32 $0xD0000000, s2;
	s6 =	simm.s32 $0x108;
	_ =	swait.ge @!p0 [sflag:s8], $0x0  }
0x24: {  	s3 =	sadd.s32 $0x88, s3;
	s6 =	simm.s32 @!p1 $0x1082;
	[sflag:s4] =	ssyncset.s32 $0xFFFFF086  }
0x25: {  	[simem:s6], [sflag:s4] =	dma.local [hbm:s3], $0xF7A  }
0x26: {  	[smem:$0x3F93] =	sst s1;
	(tag) =	ssettag s2;
	_ =	strace s9  }
0x27: {  	s1 =	sld [smem:$0x3FA3]  }
0x28: {  	s2 =	sld [smem:$0x3FA4]  }
0x29: {  	s4 =	sld [smem:$0x3FA6]  }
0x2a: {  	p0 =	seq.s32 s5, $0x0;
	s5 =	sld [smem:$0x3FA7]  }
0x2b: {  	s6 =	sld [smem:$0x3FA8]  }
0x2c: {  	s7 =	sld [smem:$0x3FA9]  }
0x2d: {  	s3 =	simm.s32 $0x108;
	s8 =	sld [smem:$0x3FAA]  }
0x2e: {  	s3 =	simm.s32 @!p0 $0x1082;
	s9 =	sld [smem:$0x3FAB]  }
0x2f: {  	lr =	sadd.s32 s0, s3;
	s0 =	sld [smem:$0x3FA2]  }
0x30: {  	s3 =	sld [smem:$0x3FA5]  }
0x31: {  	[smem:$0x3FAE] =	sst s10  }
0x32: {  	s10 =	sld [smem:$0x3FAC];
	_ =	sdelay $0x3  }
0x33: {  	p0 =	seq.s32 s10, $0x1;
	s10 =	sld [smem:$0x3FAE];
	_ =	sdelay $0x3  }
0x34: {  	[smem:$0x3FAE] =	sst s10  }
0x35: {  	s10 =	sld [smem:$0x3FAD];
	_ =	sdelay $0x3  }
0x36: {  	p1 =	seq.s32 s10, $0x1;
	s10 =	sld [smem:$0x3FAE];
	_ =	sdelay $0x3  }
0x37: {  	[smem:$0x3FAE] =	sst s10  }
0x38: {  	s10 =	sld [smem:$0x3FAF]  }
0x39: {  	_ = 	snop;
	(pc) =	sbr.ind lr, $3  }
0x3a: {  	_ = 	snop  }
0x3b: {  	_ = 	snop  }
0x3c: {  	p2 =	seq.s32 s10, $0x1;
	s10 =	sld [smem:$0x3FAE]  }
0x3d: {  	_ =	shalt  }
0x3e: {  	_ =	shalt  }
0x3f: {  	_ =	shalt  }
0x40: {  	_ =	shalt  }
0x41: {  	_ =	shalt  }
0x42: {  	_ =	shalt  }
0x43: {  	_ =	shalt  }
0x44: {  	_ =	shalt  }
0x45: {  	_ =	shalt  }
0x46: {  	_ =	shalt  }
0x47: {  	_ =	shalt  }
0x48: {  	_ =	shalt  }
0x49: {  	_ =	shalt  }
0x4a: {  	_ =	shalt  }
0x4b: {  	_ =	shalt  }
0x4c: {  	_ =	shalt  }
0x4d: {  	_ =	shalt  }
0x4e: {  	_ =	shalt  }
0x4f: {  	_ =	shalt  }
0x50: {  	_ =	shalt  }
0x51: {  	_ =	shalt  }
0x52: {  	_ =	shalt  }
0x53: {  	_ =	shalt  }
0x54: {  	_ =	shalt  }
0x55: {  	_ =	shalt  }
0x56: {  	_ =	shalt  }
0x57: {  	_ =	shalt  }
0x58: {  	_ =	shalt  }
0x59: {  	_ =	shalt  }
0x5a: {  	_ =	shalt  }
0x5b: {  	_ =	shalt  }
0x5c: {  	_ =	shalt  }
0x5d: {  	_ =	shalt  }
0x5e: {  	_ =	shalt  }
0x5f: {  	_ =	shalt  }
0x60: {  	_ =	shalt  }
0x61: {  	_ =	shalt  }
0x62: {  	_ =	shalt  }
0x63: {  	_ =	shalt  }
0x64: {  	_ =	shalt  }
0x65: {  	_ =	shalt  }
0x66: {  	_ =	shalt  }
0x67: {  	_ =	shalt  }
0x68: {  	_ =	shalt  }
0x69: {  	_ =	shalt  }
0x6a: {  	_ =	shalt  }
0x6b: {  	_ =	shalt  }
0x6c: {  	_ =	shalt  }
0x6d: {  	_ =	shalt  }
0x6e: {  	_ =	shalt  }
0x6f: {  	_ =	shalt  }
0x70: {  	_ =	shalt  }
0x71: {  	_ =	shalt  }
0x72: {  	_ =	shalt  }
0x73: {  	_ =	shalt  }
0x74: {  	_ =	shalt  }
0x75: {  	_ =	shalt  }
0x76: {  	_ =	shalt  }
0x77: {  	_ =	shalt  }
0x78: {  	_ =	shalt  }
0x79: {  	_ =	shalt  }
0x7a: {  	_ =	shalt  }
0x7b: {  	_ =	shalt  }
0x7c: {  	_ =	shalt  }
0x7d: {  	_ =	shalt  }
0x7e: {  	_ =	shalt  }
0x7f: {  	_ =	shalt  }
0x80: {  	_ =	shalt  }
0x81: {  	_ =	shalt  }
0x82: {  	_ =	shalt  }
0x83: {  	_ =	shalt  }
0x84: {  	_ =	shalt  }
0x85: {  	_ =	shalt  }
0x86: {  	_ =	shalt  }
0x87: {  	_ =	shalt  }
.Lfunc_end0:
.L_simem_size_0:
called_computation_lowered:
.L_overlay_start_0:
0x88: {  	s2 =	sld [smem:$0x3FD9]  }
0x89: {  	s3 =	sld [smem:$0x3FFE];
	_ =	sdelay $0x1  }
0x8a: {  	s1 =	srdreg.scid  }
0x8b: {  	s0 =	sand.u32 $0x1, s1  }
0x8c: {  	s17 =	sshll.u32 s0, $0xA;
	s2 =	sadd.s32 s3, s2  }
0x8d: {  	s2 =	sadd.s32 s2, s17  }
0x8e: {  	[smem:$0x3FBA] =	sst s2  }
0x8f: {  	_ = 	snop  }
0x90: {  	s2 =	sld [smem:$0x3FD0];
	(tm) =	ssettm $0x1  }
0x91: {  	s18 =	sld [smem:$0x3FFB];
	_ =	sdelay $0x3  }
0x92: {  	_ =	strace s18  }
0x93: {  	s3 =	sld [smem:$0x3FFC];
	_ =	sdelay $0x3  }
0x94: {  	_ =	strace s3  }
0x95: {  	s3 =	sld [smem:$0x3FFD];
	_ =	sdelay $0x3  }
0x96: {  	_ =	strace s3  }
0x97: {  	_ =	strace $0x8FFFFFFF  }
0x98: {  	s19 =	sld [smem:$0x3FDB];
	_ =	sdelay $0x1  }
0x99: {  	s4 =	simm.s32 $_scs_section_size  }
0x9a: {  	s5 =	simm.s32 $_size__tile_overlayer_lowered;
	s6 =	simm.s32 $_tile_overlayer_lowered  }
0x9b: {  	s22 =	simm.s32 $0x1BFF;
	s21 =	sshll.u32 s6, $0x1;
	s3 =	sadd.s32 s4, s19  }
0x9c: {  	s7 =	simm.s32 $0x0;
	s20 =	sshll.u32 s5, $0x1;
	s5 =	sadd.s32 s21, s3  }
0x9d: {  	[timem:s7], [sflag:s22] =	dma.local [hbm:s5], s20  }
0x9e: {  	_ =	swait.ge [sflag:s22], s20  }
0x9f: {  	s4 =	ssub.s32 $0x0, s20;
	[sflag:s22] =	ssyncset.done $0x0  }
0xa0: {  	[sflag:s22] =	ssyncadd.s32 s4;
	_ =	sdelay $0x1  }
0xa1: {  	s23 =	simm.s32 $0x1B8B  }
0xa2: {  	_ =	swait.ge [sflag:s23], $0x1  }
0xa3: {  	[sflag:s23] =	ssyncset.done $0x0  }
0xa4: {  	s25 =	simm.s32 $0x1B8E;
	s24 =	sld [smem:$0x3FFE];
	[sflag:s23] =	ssyncadd.s32 $0xFFFFFFFF  }
0xa5: {  	s26 =	simm.s32 $execute0_lowered;
	[smem:$0x3FD2] =	sst s25  }
0xa6: {  	s5 =	sshll.u32 s26, $0x1;
	_ =	strace $0x80000046;
	[dreg:$0x1] =	wrdreg $0xFFFFFFFF  }
0xa7: {  	s28 =	simm.s32 $_size_execute0_lowered;
	s3 =	sadd.s32 s3, s5;
	[dreg:$0x0] =	wrdreg $0x0  }
0xa8: {  	s5 =	sshll.u32 s28, $0x1;
	[dreg:$0x2] =	wrdreg s3  }
0xa9: {  	[dreg:$0x3] =	wrdreg s5  }
0xaa: {  	[dreg:$0x4] =	wrdreg $0xC0  }
0xab: {  	_ =	task [dreg:s7], $0x5FFFF  }
0xac: {  	[dreg:$0x1] =	wrdreg $0xFFFFFFFF  }
0xad: {  	[dreg:$0x0] =	wrdreg $0x60  }
0xae: {  	[dreg:$0x2] =	wrdreg s24  }
0xaf: {  	[dreg:$0x3] =	wrdreg s2  }
0xb0: {  	[dreg:$0x4] =	wrdreg $0xD0000  }
0xb1: {  	[dreg:$0x5] =	wrdreg $0x9  }
0xb2: {  	_ =	task.clear_ibuf [dreg:s7], $0x6FFFF;
	_ =	strace $0x90000046  }
0xb3: {  	s29 =	simm.s32 $0x9;
	_ =	strace $0x8000004B  }
0xb4: {  	_ =	swait.ge [sflag:s29], $0x1  }
0xb5: {  	[sflag:s29] =	ssyncadd.s32 $0xFFFFFFFF  }
0xb6: {  	_ =	strace $0x9000004B  }
0xb7: {  	_ =	sfence  }
0xb8: {  	s30 =	sld [smem:$0x0];
	_ =	sdelay $0x2  }
0xb9: {  	s31 =	sshll.u32 s1, $0xD;
	s1 =	sshrl.u32 s1, $0x2  }
0xba: {  	s3 =	sand.u32 $0x4000, s31;
	s1 =	sadd.s32 s1, s30  }
0xbb: {  	s0 =	sor.u32 s3, s0;
	s1 =	sshll.u32 s1, $0x11  }
0xbc: {  	s0 =	sor.u32 s1, s0  }
0xbd: {  	s0 =	sadd.s32 $0x8F2B, s0  }
0xbe: {  	[sflag:s0] =	ssyncadd.remote.s32 $0x1  }
0xbf: {  	_ =	sfence.sel $0xFFFF  }
0xc0: {  	[dreg:$0x0] =	wrdreg $0xFFFFFFFF;
	(pc) =	sbr.abs _section_cstart, $3  }
0xc1: {  	[dreg:$0x1] =	wrdreg $0xFFFFFFFF  }
0xc2: {  	_ =	task.clear_ibuf [dreg:s7], $0x2FFFF;
	_ =	strace $0x9FFFFFFF  }
0xc3: {  	(tm) =	ssettm $0x7FFFFFFF  }
tec
execute0_lowered:
.L_overlay_start_1:
0x0: {  	(tag) =	ssettag $0x1  }
0x1: {  	s5 =	rddreg [dreg:$0x0]  }
0x2: {  	s6 =	rddreg [dreg:$0x1]  }
0x3: {  	s2 =	rddreg [dreg:$0x2];
	s3 =	srdreg.scid  }
0x4: {  	s0 =	rddreg [dreg:$0x3];
	s1 =	stileid.u32  }
0x5: {  	s13 =	simm.s32 $0x2800;
	s14 =	simm.s32 $0x100;
	s15 =	simm.s32 $0x5000  }
0x6: {  	s16 =	simm.s32 $0x9000;
	s17 =	simm.s32 $0x1;
	s18 =	simm.s32 $0x3  }
0x7: {  	s19 =	simm.s32 $0x200;
	s20 =	simm.s32 $0x2;
	s21 =	simm.s32 $0x2900  }
0x8: {  	s22 =	simm.s32 $0x4;
	s23 =	simm.s32 $0x2700;
	s24 =	simm.s32 $0x4E00  }
0x9: {  	s25 =	simm.s32 $0x4F00;
	s26 =	simm.s32 $0x0;
	s7 =	sand.u32 $0x1, s3  }
0xa: {  	s3 =	simm.s32 $0x0;
	s8 =	smul.u32 $0x9E00, s1;
	s31 =	sshll.u32 s1, $0x6  }
0xb: {  	s4 =	sshll.u32 s7, $0x4;
	[smem:$0x7FF] =	sst s3;
	s9 =	smul.u32 $0x9E000, s7  }
0xc: {  	s7 =	ssub.s32 $0x2, s7;
	s4 =	sor.u32 s1, s4;
	_ =	strace $0x80000047  }
0xd: {  	s11 =	sshrl.u32 s7, $0x1;
	s30 =	sshrl.u32 s8, $0x3;
	s10 =	smul.u32 $0x500, s4  }
0xe: {  	s12 =	sadd.s32 s8, s2;
	s4 =	sadd.s32 $0x1800, s5;
	s9 =	sadd.s32 s8, s9  }
0xf: {  	s11 =	ssub.s32 s7, s11;
	s9 =	sshrl.u32 s9, $0x3;
	s10 =	sadd.s32 s10, s5  }
0x10: {  	s9 =	sadd.s32 s9, s5;
	s5 =	sadd.s32 s6, s30;
	s6 =	sadd.s32 $0x1F200, s10  }
0x11: {  	s7 =	sadd.s32 $0x15200, s10;
	s8 =	sadd.s32 $0x29200, s9;
	s9 =	smax.u32 s11, $0x1  }
0x12: {  	s10 =	sor.u32 $0x1C05, s31;
	s11 =	sshrl.u32 s12, $0x3;
	s12 =	simm.s32 $0x5  }
.LBB2_1:
0x13: {  	_ =	strace $0x80000048  }
0x14: {  	[spmem:s11], [sflag:s10] =	dma.local [hbm:s5], $0x13C0  }
0x15: {  	_ =	swait.ge [sflag:s12], $0x13C0  }
0x16: {  	[sflag:s12] =	ssyncset.done $0x0  }
0x17: {  	[sflag:s12] =	ssyncadd.s32 $0xFFFFEC40  }
0x18: {  	[tilespmem:s3], [sflag:$0x5] =	stream.linear.gather [hbm4b:s6+s3], $0x2800, $0x200038;
	[tilespmem:$0x16E00] =	vst v63  }
0x19: {  	_ =	swait.ge [sflag:s12], $0x2800  }
0x1a: {  	[sflag:s12] =	ssyncset.done $0x0  }
0x1b: {  	[sflag:s12] =	ssyncadd.s32 $0xFFFFD800  }
0x1c: {  	[tilespmem:s13], [sflag:$0x5] =	stream.linear.gather [hbm4b:s7+s3], $0x2800, $0x200038;
	[tilespmem:$0x16E00] =	vst v63  }
0x1d: {  	_ =	swait.ge [sflag:s12], $0x2800  }
0x1e: {  	[sflag:s12] =	ssyncset.done $0x0  }
0x1f: {  	[sflag:s12] =	ssyncadd.s32 $0xFFFFD800  }
0x20: {  	[bflag:$0x0] =	sbarrier.arrive $0xFFFF  }
0x21: {  	_ =	strace $0x90000048  }
0x22: {  	_ =	strace $0x80000049  }
0x23: {  	[tilespmem:s15], [sflag:$0x1] =	stream.indirect.gather [hbm4b:s4+s14], $0x40, s3, s14, $0x2000b8;
	[tilespmem:$0x16E00] =	vst v63  }
0x24: {  	_ = 	snop  }
0x25: {  	[tilespmem:s16], [sflag:$0x2] =	stream.indirect.gather [hbm4b:s4+s14], $0x40, s14, s14, $0x2000b8;
	[tilespmem:$0x16E00] =	vst v63  }
0x26: {  	_ =	swait.ge [sflag:s17], $0x4000  }
0x27: {  	[sflag:s17] =	ssyncset.done $0x0  }
0x28: {  	[sflag:s17] =	ssyncadd.s32 $0xFFFFC000  }
0x29: {  	[spmem:s2] =	stream.indirect.scatter.add.f32 [tilespmem:s15], [sflag:$0x3], $0x40, s13, s14, $0x2000b8;
	[tilespmem:$0x16E00] =	vst v63  }
0x2a: {  	_ =	swait.ge [sflag:s18], $0x4000  }
0x2b: {  	[sflag:s18] =	ssyncset.done $0x0  }
0x2c: {  	[sflag:s18] =	ssyncadd.s32 $0xFFFFC000  }
0x2d: {  	[tilespmem:s15], [sflag:$0x1] =	stream.indirect.gather [hbm4b:s4+s14], $0x40, s19, s14, $0x2000b8;
	[tilespmem:$0x16E00] =	vst v63  }
0x2e: {  	_ =	swait.ge [sflag:s20], $0x4000  }
0x2f: {  	[sflag:s20] =	ssyncset.done $0x0  }
0x30: {  	[sflag:s20] =	ssyncadd.s32 $0xFFFFC000  }
0x31: {  	[spmem:s2] =	stream.indirect.scatter.add.f32 [tilespmem:s16], [sflag:$0x4], $0x40, s21, s14, $0x2000b8;
	[tilespmem:$0x16E00] =	vst v63  }
0x32: {  	_ =	swait.ge [sflag:s22], $0x4000  }
0x33: {  	[sflag:s22] =	ssyncset.done $0x0  }
0x34: {  	s28 =	simm.s32 $0x300;
	[sflag:s22] =	ssyncadd.s32 $0xFFFFC000  }
0x35: {  	[tilespmem:s16], [sflag:$0x2] =	stream.indirect.gather [hbm4b:s4+s14], $0x40, s28, s14, $0x2000b8;
	[tilespmem:$0x16E00] =	vst v63  }
0x36: {  	_ =	swait.ge [sflag:s17], $0x4000  }
0x37: {  	[sflag:s17] =	ssyncset.done $0x0  }
0x38: {  	s28 =	simm.s32 $0x2A00;
	[sflag:s17] =	ssyncadd.s32 $0xFFFFC000  }
0x39: {  	[spmem:s2] =	stream.indirect.scatter.add.f32 [tilespmem:s15], [sflag:$0x3], $0x40, s28, s14, $0x2000b8;
	[tilespmem:$0x16E00] =	vst v63  }
0x3a: {  	_ =	swait.ge [sflag:s18], $0x4000  }
0x3b: {  	[sflag:s18] =	ssyncset.done $0x0  }
0x3c: {  	s28 =	simm.s32 $0x400;
	[sflag:s18] =	ssyncadd.s32 $0xFFFFC000  }
0x3d: {  	[tilespmem:s15], [sflag:$0x1] =	stream.indirect.gather [hbm4b:s4+s14], $0x40, s28, s14, $0x2000b8;
	[tilespmem:$0x16E00] =	vst v63  }
0x3e: {  	_ =	swait.ge [sflag:s20], $0x4000  }
0x3f: {  	[sflag:s20] =	ssyncset.done $0x0  }
0x40: {  	s29 =	simm.s32 $0x2B00;
	s28 =	simm.s32 $0xFFFF7800;
	[sflag:s20] =	ssyncadd.s32 $0xFFFFC000  }
.LBB2_2:
0x41: {  	[spmem:s2] =	stream.indirect.scatter.add.f32 [tilespmem:s16], [sflag:$0x4], $0x40, s29, s14, $0x2000b8;
	[tilespmem:$0x16E00] =	vst v63  }
0x42: {  	s29 =	smov.u32 s28  }
0x43: {  	p0 =	sne.s32 s28, $0xFFFFF800;
	s28 =	sadd.s32 $0x800, s28;
	_ =	swait.ge [sflag:s22], $0x4000  }
0x44: {  	s29 =	sshra.s32 s29, $0x2;
	[sflag:s22] =	ssyncset.done $0x0  }
0x45: {  	s30 =	sadd.s32 $0x2700, s29;
	[sflag:s22] =	ssyncadd.s32 $0xFFFFC000  }
0x46: {  	[tilespmem:s16], [sflag:$0x2] =	stream.indirect.gather [hbm4b:s4+s14], $0x40, s30, s14, $0x2000b8;
	[tilespmem:$0x16E00] =	vst v63  }
0x47: {  	_ =	swait.ge [sflag:s17], $0x4000  }
0x48: {  	[sflag:s17] =	ssyncset.done $0x0  }
0x49: {  	s30 =	sadd.s32 $0x4E00, s29;
	[sflag:s17] =	ssyncadd.s32 $0xFFFFC000  }
0x4a: {  	[spmem:s2] =	stream.indirect.scatter.add.f32 [tilespmem:s15], [sflag:$0x3], $0x40, s30, s14, $0x2000b8;
	[tilespmem:$0x16E00] =	vst v63  }
0x4b: {  	_ =	swait.ge [sflag:s18], $0x4000  }
0x4c: {  	[sflag:s18] =	ssyncset.done $0x0  }
.Ltmp0:
0x4d: {  	s30 =	sadd.s32 $0x2800, s29;
	[sflag:s18] =	ssyncadd.s32 $0xFFFFC000;
	(pc) =	sbr.rel @p0 .LBB2_2-.Ltmp0, $4  }
0x4e: {  	[tilespmem:s15], [sflag:$0x1] =	stream.indirect.gather [hbm4b:s4+s14], $0x40, s30, s14, $0x2000b8;
	[tilespmem:$0x16E00] =	vst v63  }
0x4f: {  	_ =	swait.ge [sflag:s20], $0x4000  }
0x50: {  	[sflag:s20] =	ssyncset.done $0x0  }
0x51: {  	s29 =	sadd.s32 $0x4F00, s29;
	[sflag:s20] =	ssyncadd.s32 $0xFFFFC000  }
0x52: {  	[spmem:s2] =	stream.indirect.scatter.add.f32 [tilespmem:s16], [sflag:$0x4], $0x40, s29, s14, $0x2000b8;
	[tilespmem:$0x16E00] =	vst v63  }
0x53: {  	_ =	swait.ge [sflag:s22], $0x4000  }
0x54: {  	[sflag:s22] =	ssyncset.done $0x0  }
0x55: {  	[sflag:s22] =	ssyncadd.s32 $0xFFFFC000  }
0x56: {  	[tilespmem:s16], [sflag:$0x2] =	stream.indirect.gather [hbm4b:s4+s14], $0x40, s23, s14, $0x2000b8;
	[tilespmem:$0x16E00] =	vst v63  }
0x57: {  	_ =	swait.ge [sflag:s17], $0x4000  }
0x58: {  	[sflag:s17] =	ssyncset.done $0x0  }
0x59: {  	[sflag:s17] =	ssyncadd.s32 $0xFFFFC000  }
0x5a: {  	[spmem:s2] =	stream.indirect.scatter.add.f32 [tilespmem:s15], [sflag:$0x3], $0x40, s24, s14, $0x2000b8;
	[tilespmem:$0x16E00] =	vst v63  }
0x5b: {  	_ =	swait.ge [sflag:s20], $0x4000  }
0x5c: {  	[sflag:s20] =	ssyncset.done $0x0  }
0x5d: {  	[sflag:s20] =	ssyncadd.s32 $0xFFFFC000  }
0x5e: {  	[spmem:s2] =	stream.indirect.scatter.add.f32 [tilespmem:s16], [sflag:$0x4], $0x40, s25, s14, $0x2000b8;
	[tilespmem:$0x16E00] =	vst v63  }
0x5f: {  	_ =	swait.ge [sflag:s18], $0x4000  }
0x60: {  	[sflag:s18] =	ssyncset.done $0x0  }
0x61: {  	[sflag:s18] =	ssyncadd.s32 $0xFFFFC000  }
0x62: {  	_ =	swait.ge [sflag:s22], $0x4000  }
0x63: {  	[sflag:s22] =	ssyncset.done $0x0  }
0x64: {  	[sflag:s22] =	ssyncadd.s32 $0xFFFFC000  }
0x65: {  	_ =	strace $0x90000049  }
0x66: {  	s26 =	sadd.s32 $0x1, s26;
	_ =	strace $0x8000004A  }
0x67: {  	p0 =	sne.s32 s26, s9;
	[bflag:$0x0] =	sbarrier.arrive $0xFFFF  }
0x68: {  	[hbm:s8], [sflag:s10] =	dma.local [spmem:s11], $0x13C0  }
.Ltmp1:
0x69: {  	_ = 	snop;
	(pc) =	sbr.rel @p0 .LBB2_1-.Ltmp1, $4  }
0x6a: {  	_ =	swait.ge [sflag:s12], $0x13C0  }
0x6b: {  	[sflag:s12] =	ssyncset.done $0x0  }
0x6c: {  	[sflag:s12] =	ssyncadd.s32 $0xFFFFEC40  }
0x6d: {  	_ =	strace $0x9000004A  }
0x6e: {  	_ =	sfence.sel $0x180000  }
0x6f: {  	[bflag:$0x0] =	sbarrier.arrive $0xFFFF  }
0x70: {  	p0 =	sne.s32 s1, $0x0;
	_ =	strace $0x90000047  }
0x71: {  	s0 =	sadd.s32 @!p0 $0x100000, s0;
	[bflag:$0x2] =	sbarrier.arrive $0xFFFF  }
0x72: {  	[sflag:s0] =	ssyncadd.tile.s32 @!p0 $0x1;
	_ =	shalt  }
.Lfunc_end2:
_tile_overlayer_lowered:
.L_overlay_start_2:
0x73: {  	(tag) =	ssettag $0x2  }
0x74: {  	s0 =	rddreg [dreg:$0x0];
	s2 =	stileid.u32  }
0x75: {  	s1 =	rddreg [dreg:$0x1];
	p0 =	sne.s32 s2, $0x0  }
0x76: {  	s3 =	rddreg [dreg:$0x2];
	[bflag:$0x3] =	sbarrier.arrive $0xFFFF;
	s2 =	simm.s32 @!p0 $0x1C05  }
0x77: {  	[timem:s3], [sflag:s2] =	dma.local @!p0 [hbm:s0], s1  }
0x78: {  	s0 =	simm.s32 @!p0 $0x5  }
0x79: {  	_ =	swait.ge @!p0 [sflag:s0], s1  }
0x7a: {  	s1 =	ssub.s32 @!p0 $0x0, s1;
	[sflag:s0] =	ssyncset.done @!p0 $0x0  }
0x7b: {  	[sflag:s0] =	ssyncadd.s32 @!p0 s1  }
0x7c: {  	[bflag:$0x3] =	sbarrier.arrive $0xFFFF  }
0x7d: {  	_ =	shalt  }

</sc_bundles>
